<compile_context>
chip_gen: v7x
topology: tpu7x:2x2x1
jax: 0.10.2.dev20260603
libtpu: 0.0.44.dev20260713+nightly
codegen_flags: <defaults>
</compile_context>

<pallas_src>
import functools

import jax
import jax.numpy as jnp
from jax import lax
from jax.experimental import pallas as pl
from jax.experimental.pallas import tpu as pltpu
from jax.experimental.pallas import tpu_sc as plsc

_IDX_ROW = 128
_CHUNK = 64
_SPLIT = _IDX_ROW // _CHUNK


def _proj_body(table_ref, w_ref, b_ref, out_ref):
    out_ref[...] = (
        jnp.dot(table_ref[...], w_ref[...], preferred_element_type=jnp.float32)
        + b_ref[...]
    )


def kernel(x, table, W, b):
    V, H = table.shape
    D = W.shape[1]
    B = x.shape[0]

    proj = pl.pallas_call(
        _proj_body,
        out_shape=jax.ShapeDtypeStruct((V, D), jnp.float32),
    )(table, W, b.reshape(1, D))

    info = plsc.get_sparse_core_info()
    nw = info.num_cores * info.num_subcores
    b_per_w = B // nw
    n_chunks = b_per_w // _CHUNK

    n_idx_rows = b_per_w // _IDX_ROW

    x32 = x.astype(jnp.int32)
    x2d = x32.reshape(B // _IDX_ROW, _IDX_ROW)

    mesh = plsc.VectorSubcoreMesh(core_axis_name="c", subcore_axis_name="s")

    @functools.partial(
        pl.kernel,
        mesh=mesh,
        out_type=jax.ShapeDtypeStruct((B, D), jnp.float32),
        scratch_types=[
            pltpu.VMEM((n_idx_rows, _IDX_ROW), jnp.int32),
            pltpu.VMEM_SHARED((V, D), jnp.float32),
            pltpu.VMEM((b_per_w, D), jnp.float32),
            pltpu.SemaphoreType.DMA((n_chunks,)),
            pltpu.SemaphoreType.DMA,
            pltpu.SemaphoreType.DMA,
        ],
    )
    def gather_k(proj_hbm, idx_hbm, out_hbm, idx_v, proj_sh, rows_v, gsem,
                 ssem, isem):
        sid = lax.axis_index("s")
        wid = sid * info.num_cores + lax.axis_index("c")
        base = wid * b_per_w
        idx_cp = pltpu.async_copy(
            idx_hbm.at[pl.ds(wid * n_idx_rows, n_idx_rows)], idx_v, isem
        )
        @pl.when(sid == 0)
        def _():
            pltpu.sync_copy(proj_hbm, proj_sh)

        plsc.subcore_barrier()
        idx_cp.wait()
        for j in range(n_chunks):
            pltpu.async_copy(
                proj_sh.at[idx_v.at[j // _SPLIT, pl.ds((j % _SPLIT) * _CHUNK, _CHUNK)]],
                rows_v.at[pl.ds(j * _CHUNK, _CHUNK)],
                gsem.at[j],
            )
        for j in range(n_chunks):
            pltpu.make_async_copy(
                proj_sh.at[idx_v.at[j // _SPLIT, pl.ds((j % _SPLIT) * _CHUNK, _CHUNK)]],
                rows_v.at[pl.ds(j * _CHUNK, _CHUNK)],
                gsem.at[j],
            ).wait()
            pltpu.async_copy(
                rows_v.at[pl.ds(j * _CHUNK, _CHUNK)],
                out_hbm.at[pl.ds(base + j * _CHUNK, _CHUNK)],
                ssem,
            )
        for j in range(n_chunks):
            pltpu.make_async_copy(
                rows_v.at[pl.ds(j * _CHUNK, _CHUNK)],
                out_hbm.at[pl.ds(base + j * _CHUNK, _CHUNK)],
                ssem,
            ).wait()

    return gather_k(proj, x2d)

# --- scband reference (transcript-rebuilt; emitter-appended) ---
"""Pipeline reference for scband-emotion-encoder-20126216749723 (READ-ONLY COPY).

The authoritative reference and input builder live on the scoring server;
editing this copy changes nothing except your own understanding.
"""

import jax, jax.numpy as jnp
import numpy as np

NUM_EMOTIONS = 8
HIDDEN_DIM = 256
LATENT_DIM = 128
BATCH = 16384

def setup_inputs(seed: int = 0) -> dict:
    key = jax.random.key(seed)
    k1, k2, k3, k4 = jax.random.split(key, 4)
    x = jax.random.randint(k1, (BATCH,), 0, NUM_EMOTIONS, dtype=jnp.int64 if jax.config.jax_enable_x64 else jnp.int32)
    table = jax.random.normal(k2, (NUM_EMOTIONS, HIDDEN_DIM), dtype=jnp.float32)
    W = jax.random.normal(k3, (HIDDEN_DIM, LATENT_DIM), dtype=jnp.float32) * (1.0 / np.sqrt(HIDDEN_DIM))
    b = jax.random.normal(k4, (LATENT_DIM,), dtype=jnp.float32) * 0.01
    return {"x": x, "table": table, "W": W, "b": b}

def reference(x, table, W, b):
    # nn.Embedding lookup
    h = jnp.take(table, x, axis=0)            # (B, hidden_dim)
    # dropout in eval mode -> identity
    out = h @ W + b                           # (B, latent_dim)
    return out

if __name__ == "__main__":
    import jax
    _d = setup_inputs()
    print(jax.jit(kernel)(*tuple(_d.values())))

</pallas_src>

<mosaic_0001>
#map = affine_map<(d0, d1) -> (0, 0)>
module attributes {stable_mosaic.version = 14 : i64} {
  func.func @gather_k(%arg0: i32, %arg1: i32, %arg2: memref<8x128xf32, #tpu.memory_space<hbm>>, %arg3: memref<128x128xi32, #tpu.memory_space<hbm>>, %arg4: memref<16384x128xf32, #tpu.memory_space<hbm>>, %arg5: memref<4x128xi32, #tpu.memory_space<vmem>>, %arg6: memref<8x128xf32, #tpu.memory_space<vmem_shared>>, %arg7: memref<512x128xf32, #tpu.memory_space<vmem>>, %arg8: memref<8x!tpu.dma_semaphore, #tpu.memory_space<semaphore_mem>>, %arg9: memref<!tpu.dma_semaphore, #tpu.memory_space<semaphore_mem>>, %arg10: memref<!tpu.dma_semaphore, #tpu.memory_space<semaphore_mem>>) attributes {dimension_semantics = [#tpu.dimension_semantics<core_parallel>, #tpu.dimension_semantics<subcore_parallel>], iteration_bounds = array<i64: 2, 16>, scalar_prefetch = 0 : i64, scratch_operands = 6 : i64, tpu.core_type = #tpu.core_type<sc_vector_subcore>, window_params = [{transform_indices = #map}, {transform_indices = #map}, {transform_indices = #map}]} {
    %mul3A = arith.constant 2 : i32
    %mul3A_0 = arith.muli %arg1, %mul3A : i32
    %add3A = arith.addi %mul3A_0, %arg0 : i32
    %mul3A_1 = arith.constant 512 : i32
    %mul3A_2 = arith.muli %add3A, %mul3A_1 : i32
    %mul3A_3 = arith.constant 4 : i32
    %mul3A_4 = arith.muli %add3A, %mul3A_3 : i32
    %dma_start3A = arith.constant 0 : i32
    %dma_start3A_5 = tpu.memref_slice %arg3[%mul3A_4, %dma_start3A] : memref<128x128xi32, #tpu.memory_space<hbm>> -> memref<4x128xi32, #tpu.memory_space<hbm>>
    %dma_start3A_6 = arith.constant 0 : i32
    %dma_start3A_7 = tpu.memref_slice %arg3[%mul3A_4, %dma_start3A_6] : memref<128x128xi32, #tpu.memory_space<hbm>> -> memref<4x128xi32, #tpu.memory_space<hbm>>
    tpu.enqueue_dma source(%dma_start3A_7 : memref<4x128xi32, #tpu.memory_space<hbm>>) target(%arg5 : memref<4x128xi32, #tpu.memory_space<vmem>>) target_semaphore(%arg10 : memref<!tpu.dma_semaphore, #tpu.memory_space<semaphore_mem>>)
    %eq3A = arith.constant 0 : i32
    %eq3A_8 = arith.cmpi eq, %arg1, %eq3A : i32
    %convert_element_type3A = arith.extui %eq3A_8 : i1 to i32
    %cond3A = arith.constant 0 : i32
    %cond3A_9 = arith.cmpi ne, %convert_element_type3A, %cond3A : i32
    scf.if %cond3A_9 {
      "tpu.region"() ({
        %run_scoped3A = tpu.sem_alloc : memref<!tpu.dma_semaphore, #tpu.memory_space<semaphore_mem>>
        tpu.enqueue_dma source(%arg2 : memref<8x128xf32, #tpu.memory_space<hbm>>) target(%arg6 : memref<8x128xf32, #tpu.memory_space<vmem_shared>>) target_semaphore(%run_scoped3A : memref<!tpu.dma_semaphore, #tpu.memory_space<semaphore_mem>>)
        tpu.wait_dma2 semaphore(%run_scoped3A : memref<!tpu.dma_semaphore, #tpu.memory_space<semaphore_mem>>) src(%arg2 : memref<8x128xf32, #tpu.memory_space<hbm>>) dst(%arg6 : memref<8x128xf32, #tpu.memory_space<vmem_shared>>)
        tpu.yield
      }) : () -> ()
    } else {
    }
    %barrier3A = arith.constant 0 : index
    tpu.barrier barrier_id(%barrier3A)
    %dma_wait3A = arith.constant 0 : i32
    %dma_wait3A_10 = tpu.memref_slice %arg3[%mul3A_4, %dma_wait3A] : memref<128x128xi32, #tpu.memory_space<hbm>> -> memref<4x128xi32, #tpu.memory_space<hbm>>
    %dma_wait3A_11 = arith.constant 0 : i32
    %dma_wait3A_12 = tpu.memref_slice %arg3[%mul3A_4, %dma_wait3A_11] : memref<128x128xi32, #tpu.memory_space<hbm>> -> memref<4x128xi32, #tpu.memory_space<hbm>>
    tpu.wait_dma2 semaphore(%arg10 : memref<!tpu.dma_semaphore, #tpu.memory_space<semaphore_mem>>) src(%dma_wait3A_12 : memref<4x128xi32, #tpu.memory_space<hbm>>) dst(%arg5 : memref<4x128xi32, #tpu.memory_space<vmem>>)
    %dma_start3A_13 = arith.constant 0 : i32
    %dma_start3A_14 = arith.constant 0 : i32
    %dma_start3A_15 = arith.constant 0 : i32
    %dma_start3A_16 = arith.constant 0 : i32
    %dma_start3A_17 = tpu.memref_slice %arg7[%dma_start3A_15, %dma_start3A_16] : memref<512x128xf32, #tpu.memory_space<vmem>> -> memref<64x128xf32, #tpu.memory_space<vmem>>
    %dma_start3A_18 = arith.constant 0 : i32
    %dma_start3A_19 = tpu.memref_slice %arg5[%dma_start3A_13, %dma_start3A_18] : memref<4x128xi32, #tpu.memory_space<vmem>> -> memref<1x64xi32, #tpu.memory_space<vmem>>
    %dma_start3A_20 = tpu.memref_squeeze %dma_start3A_19 : memref<1x64xi32, #tpu.memory_space<vmem>> -> memref<64xi32, #tpu.memory_space<vmem>>
    %dma_start3A_21 = arith.constant 0 : i32
    %dma_start3A_22 = arith.constant 0 : i32
    %dma_start3A_23 = tpu.memref_slice %arg6[%dma_start3A_21, %dma_start3A_22] : memref<8x128xf32, #tpu.memory_space<vmem_shared>> -> memref<8x128xf32, #tpu.memory_space<vmem_shared>>
    %dma_start3A_24 = tpu.memref_slice %arg8[%dma_start3A_14] : memref<8x!tpu.dma_semaphore, #tpu.memory_space<semaphore_mem>> -> memref<1x!tpu.dma_semaphore, #tpu.memory_space<semaphore_mem>>
    %dma_start3A_25 = tpu.memref_squeeze %dma_start3A_24 : memref<1x!tpu.dma_semaphore, #tpu.memory_space<semaphore_mem>> -> memref<!tpu.dma_semaphore, #tpu.memory_space<semaphore_mem>>
    tpu.enqueue_indirect_dma source(%dma_start3A_23 : memref<8x128xf32, #tpu.memory_space<vmem_shared>>) target(%dma_start3A_17 : memref<64x128xf32, #tpu.memory_space<vmem>>) offsets(%dma_start3A_20 : memref<64xi32, #tpu.memory_space<vmem>>) semaphore(%dma_start3A_25 : memref<!tpu.dma_semaphore, #tpu.memory_space<semaphore_mem>>)
    %dma_start3A_26 = arith.constant 0 : i32
    %dma_start3A_27 = arith.constant 1 : i32
    %dma_start3A_28 = arith.constant 64 : i32
    %dma_start3A_29 = arith.constant 0 : i32
    %dma_start3A_30 = tpu.memref_slice %arg7[%dma_start3A_28, %dma_start3A_29] : memref<512x128xf32, #tpu.memory_space<vmem>> -> memref<64x128xf32, #tpu.memory_space<vmem>>
    %dma_start3A_31 = arith.constant 64 : i32
    %dma_start3A_32 = tpu.memref_slice %arg5[%dma_start3A_26, %dma_start3A_31] : memref<4x128xi32, #tpu.memory_space<vmem>> -> memref<1x64xi32, #tpu.memory_space<vmem>>
    %dma_start3A_33 = tpu.memref_squeeze %dma_start3A_32 : memref<1x64xi32, #tpu.memory_space<vmem>> -> memref<64xi32, #tpu.memory_space<vmem>>
    %dma_start3A_34 = arith.constant 0 : i32
    %dma_start3A_35 = arith.constant 0 : i32
    %dma_start3A_36 = tpu.memref_slice %arg6[%dma_start3A_34, %dma_start3A_35] : memref<8x128xf32, #tpu.memory_space<vmem_shared>> -> memref<8x128xf32, #tpu.memory_space<vmem_shared>>
    %dma_start3A_37 = tpu.memref_slice %arg8[%dma_start3A_27] : memref<8x!tpu.dma_semaphore, #tpu.memory_space<semaphore_mem>> -> memref<1x!tpu.dma_semaphore, #tpu.memory_space<semaphore_mem>>
    %dma_start3A_38 = tpu.memref_squeeze %dma_start3A_37 : memref<1x!tpu.dma_semaphore, #tpu.memory_space<semaphore_mem>> -> memref<!tpu.dma_semaphore, #tpu.memory_space<semaphore_mem>>
    tpu.enqueue_indirect_dma source(%dma_start3A_36 : memref<8x128xf32, #tpu.memory_space<vmem_shared>>) target(%dma_start3A_30 : memref<64x128xf32, #tpu.memory_space<vmem>>) offsets(%dma_start3A_33 : memref<64xi32, #tpu.memory_space<vmem>>) semaphore(%dma_start3A_38 : memref<!tpu.dma_semaphore, #tpu.memory_space<semaphore_mem>>)
    %dma_start3A_39 = arith.constant 1 : i32
    %dma_start3A_40 = arith.constant 2 : i32
    %dma_start3A_41 = arith.constant 128 : i32
    %dma_start3A_42 = arith.constant 0 : i32
    %dma_start3A_43 = tpu.memref_slice %arg7[%dma_start3A_41, %dma_start3A_42] : memref<512x128xf32, #tpu.memory_space<vmem>> -> memref<64x128xf32, #tpu.memory_space<vmem>>
    %dma_start3A_44 = arith.constant 0 : i32
    %dma_start3A_45 = tpu.memref_slice %arg5[%dma_start3A_39, %dma_start3A_44] : memref<4x128xi32, #tpu.memory_space<vmem>> -> memref<1x64xi32, #tpu.memory_space<vmem>>
    %dma_start3A_46 = tpu.memref_squeeze %dma_start3A_45 : memref<1x64xi32, #tpu.memory_space<vmem>> -> memref<64xi32, #tpu.memory_space<vmem>>
    %dma_start3A_47 = arith.constant 0 : i32
    %dma_start3A_48 = arith.constant 0 : i32
    %dma_start3A_49 = tpu.memref_slice %arg6[%dma_start3A_47, %dma_start3A_48] : memref<8x128xf32, #tpu.memory_space<vmem_shared>> -> memref<8x128xf32, #tpu.memory_space<vmem_shared>>
    %dma_start3A_50 = tpu.memref_slice %arg8[%dma_start3A_40] : memref<8x!tpu.dma_semaphore, #tpu.memory_space<semaphore_mem>> -> memref<1x!tpu.dma_semaphore, #tpu.memory_space<semaphore_mem>>
    %dma_start3A_51 = tpu.memref_squeeze %dma_start3A_50 : memref<1x!tpu.dma_semaphore, #tpu.memory_space<semaphore_mem>> -> memref<!tpu.dma_semaphore, #tpu.memory_space<semaphore_mem>>
    tpu.enqueue_indirect_dma source(%dma_start3A_49 : memref<8x128xf32, #tpu.memory_space<vmem_shared>>) target(%dma_start3A_43 : memref<64x128xf32, #tpu.memory_space<vmem>>) offsets(%dma_start3A_46 : memref<64xi32, #tpu.memory_space<vmem>>) semaphore(%dma_start3A_51 : memref<!tpu.dma_semaphore, #tpu.memory_space<semaphore_mem>>)
    %dma_start3A_52 = arith.constant 1 : i32
    %dma_start3A_53 = arith.constant 3 : i32
    %dma_start3A_54 = arith.constant 192 : i32
    %dma_start3A_55 = arith.constant 0 : i32
    %dma_start3A_56 = tpu.memref_slice %arg7[%dma_start3A_54, %dma_start3A_55] : memref<512x128xf32, #tpu.memory_space<vmem>> -> memref<64x128xf32, #tpu.memory_space<vmem>>
    %dma_start3A_57 = arith.constant 64 : i32
    %dma_start3A_58 = tpu.memref_slice %arg5[%dma_start3A_52, %dma_start3A_57] : memref<4x128xi32, #tpu.memory_space<vmem>> -> memref<1x64xi32, #tpu.memory_space<vmem>>
    %dma_start3A_59 = tpu.memref_squeeze %dma_start3A_58 : memref<1x64xi32, #tpu.memory_space<vmem>> -> memref<64xi32, #tpu.memory_space<vmem>>
    %dma_start3A_60 = arith.constant 0 : i32
    %dma_start3A_61 = arith.constant 0 : i32
    %dma_start3A_62 = tpu.memref_slice %arg6[%dma_start3A_60, %dma_start3A_61] : memref<8x128xf32, #tpu.memory_space<vmem_shared>> -> memref<8x128xf32, #tpu.memory_space<vmem_shared>>
    %dma_start3A_63 = tpu.memref_slice %arg8[%dma_start3A_53] : memref<8x!tpu.dma_semaphore, #tpu.memory_space<semaphore_mem>> -> memref<1x!tpu.dma_semaphore, #tpu.memory_space<semaphore_mem>>
    %dma_start3A_64 = tpu.memref_squeeze %dma_start3A_63 : memref<1x!tpu.dma_semaphore, #tpu.memory_space<semaphore_mem>> -> memref<!tpu.dma_semaphore, #tpu.memory_space<semaphore_mem>>
    tpu.enqueue_indirect_dma source(%dma_start3A_62 : memref<8x128xf32, #tpu.memory_space<vmem_shared>>) target(%dma_start3A_56 : memref<64x128xf32, #tpu.memory_space<vmem>>) offsets(%dma_start3A_59 : memref<64xi32, #tpu.memory_space<vmem>>) semaphore(%dma_start3A_64 : memref<!tpu.dma_semaphore, #tpu.memory_space<semaphore_mem>>)
    %dma_start3A_65 = arith.constant 2 : i32
    %dma_start3A_66 = arith.constant 4 : i32
    %dma_start3A_67 = arith.constant 256 : i32
    %dma_start3A_68 = arith.constant 0 : i32
    %dma_start3A_69 = tpu.memref_slice %arg7[%dma_start3A_67, %dma_start3A_68] : memref<512x128xf32, #tpu.memory_space<vmem>> -> memref<64x128xf32, #tpu.memory_space<vmem>>
    %dma_start3A_70 = arith.constant 0 : i32
    %dma_start3A_71 = tpu.memref_slice %arg5[%dma_start3A_65, %dma_start3A_70] : memref<4x128xi32, #tpu.memory_space<vmem>> -> memref<1x64xi32, #tpu.memory_space<vmem>>
    %dma_start3A_72 = tpu.memref_squeeze %dma_start3A_71 : memref<1x64xi32, #tpu.memory_space<vmem>> -> memref<64xi32, #tpu.memory_space<vmem>>
    %dma_start3A_73 = arith.constant 0 : i32
    %dma_start3A_74 = arith.constant 0 : i32
    %dma_start3A_75 = tpu.memref_slice %arg6[%dma_start3A_73, %dma_start3A_74] : memref<8x128xf32, #tpu.memory_space<vmem_shared>> -> memref<8x128xf32, #tpu.memory_space<vmem_shared>>
    %dma_start3A_76 = tpu.memref_slice %arg8[%dma_start3A_66] : memref<8x!tpu.dma_semaphore, #tpu.memory_space<semaphore_mem>> -> memref<1x!tpu.dma_semaphore, #tpu.memory_space<semaphore_mem>>
    %dma_start3A_77 = tpu.memref_squeeze %dma_start3A_76 : memref<1x!tpu.dma_semaphore, #tpu.memory_space<semaphore_mem>> -> memref<!tpu.dma_semaphore, #tpu.memory_space<semaphore_mem>>
    tpu.enqueue_indirect_dma source(%dma_start3A_75 : memref<8x128xf32, #tpu.memory_space<vmem_shared>>) target(%dma_start3A_69 : memref<64x128xf32, #tpu.memory_space<vmem>>) offsets(%dma_start3A_72 : memref<64xi32, #tpu.memory_space<vmem>>) semaphore(%dma_start3A_77 : memref<!tpu.dma_semaphore, #tpu.memory_space<semaphore_mem>>)
    %dma_start3A_78 = arith.constant 2 : i32
    %dma_start3A_79 = arith.constant 5 : i32
    %dma_start3A_80 = arith.constant 320 : i32
    %dma_start3A_81 = arith.constant 0 : i32
    %dma_start3A_82 = tpu.memref_slice %arg7[%dma_start3A_80, %dma_start3A_81] : memref<512x128xf32, #tpu.memory_space<vmem>> -> memref<64x128xf32, #tpu.memory_space<vmem>>
    %dma_start3A_83 = arith.constant 64 : i32
    %dma_start3A_84 = tpu.memref_slice %arg5[%dma_start3A_78, %dma_start3A_83] : memref<4x128xi32, #tpu.memory_space<vmem>> -> memref<1x64xi32, #tpu.memory_space<vmem>>
    %dma_start3A_85 = tpu.memref_squeeze %dma_start3A_84 : memref<1x64xi32, #tpu.memory_space<vmem>> -> memref<64xi32, #tpu.memory_space<vmem>>
    %dma_start3A_86 = arith.constant 0 : i32
    %dma_start3A_87 = arith.constant 0 : i32
    %dma_start3A_88 = tpu.memref_slice %arg6[%dma_start3A_86, %dma_start3A_87] : memref<8x128xf32, #tpu.memory_space<vmem_shared>> -> memref<8x128xf32, #tpu.memory_space<vmem_shared>>
    %dma_start3A_89 = tpu.memref_slice %arg8[%dma_start3A_79] : memref<8x!tpu.dma_semaphore, #tpu.memory_space<semaphore_mem>> -> memref<1x!tpu.dma_semaphore, #tpu.memory_space<semaphore_mem>>
    %dma_start3A_90 = tpu.memref_squeeze %dma_start3A_89 : memref<1x!tpu.dma_semaphore, #tpu.memory_space<semaphore_mem>> -> memref<!tpu.dma_semaphore, #tpu.memory_space<semaphore_mem>>
    tpu.enqueue_indirect_dma source(%dma_start3A_88 : memref<8x128xf32, #tpu.memory_space<vmem_shared>>) target(%dma_start3A_82 : memref<64x128xf32, #tpu.memory_space<vmem>>) offsets(%dma_start3A_85 : memref<64xi32, #tpu.memory_space<vmem>>) semaphore(%dma_start3A_90 : memref<!tpu.dma_semaphore, #tpu.memory_space<semaphore_mem>>)
    %dma_start3A_91 = arith.constant 3 : i32
    %dma_start3A_92 = arith.constant 6 : i32
    %dma_start3A_93 = arith.constant 384 : i32
    %dma_start3A_94 = arith.constant 0 : i32
    %dma_start3A_95 = tpu.memref_slice %arg7[%dma_start3A_93, %dma_start3A_94] : memref<512x128xf32, #tpu.memory_space<vmem>> -> memref<64x128xf32, #tpu.memory_space<vmem>>
    %dma_start3A_96 = arith.constant 0 : i32
    %dma_start3A_97 = tpu.memref_slice %arg5[%dma_start3A_91, %dma_start3A_96] : memref<4x128xi32, #tpu.memory_space<vmem>> -> memref<1x64xi32, #tpu.memory_space<vmem>>
    %dma_start3A_98 = tpu.memref_squeeze %dma_start3A_97 : memref<1x64xi32, #tpu.memory_space<vmem>> -> memref<64xi32, #tpu.memory_space<vmem>>
    %dma_start3A_99 = arith.constant 0 : i32
    %dma_start3A_100 = arith.constant 0 : i32
    %dma_start3A_101 = tpu.memref_slice %arg6[%dma_start3A_99, %dma_start3A_100] : memref<8x128xf32, #tpu.memory_space<vmem_shared>> -> memref<8x128xf32, #tpu.memory_space<vmem_shared>>
    %dma_start3A_102 = tpu.memref_slice %arg8[%dma_start3A_92] : memref<8x!tpu.dma_semaphore, #tpu.memory_space<semaphore_mem>> -> memref<1x!tpu.dma_semaphore, #tpu.memory_space<semaphore_mem>>
    %dma_start3A_103 = tpu.memref_squeeze %dma_start3A_102 : memref<1x!tpu.dma_semaphore, #tpu.memory_space<semaphore_mem>> -> memref<!tpu.dma_semaphore, #tpu.memory_space<semaphore_mem>>
    tpu.enqueue_indirect_dma source(%dma_start3A_101 : memref<8x128xf32, #tpu.memory_space<vmem_shared>>) target(%dma_start3A_95 : memref<64x128xf32, #tpu.memory_space<vmem>>) offsets(%dma_start3A_98 : memref<64xi32, #tpu.memory_space<vmem>>) semaphore(%dma_start3A_103 : memref<!tpu.dma_semaphore, #tpu.memory_space<semaphore_mem>>)
    %dma_start3A_104 = arith.constant 3 : i32
    %dma_start3A_105 = arith.constant 7 : i32
    %dma_start3A_106 = arith.constant 448 : i32
    %dma_start3A_107 = arith.constant 0 : i32
    %dma_start3A_108 = tpu.memref_slice %arg7[%dma_start3A_106, %dma_start3A_107] : memref<512x128xf32, #tpu.memory_space<vmem>> -> memref<64x128xf32, #tpu.memory_space<vmem>>
    %dma_start3A_109 = arith.constant 64 : i32
    %dma_start3A_110 = tpu.memref_slice %arg5[%dma_start3A_104, %dma_start3A_109] : memref<4x128xi32, #tpu.memory_space<vmem>> -> memref<1x64xi32, #tpu.memory_space<vmem>>
    %dma_start3A_111 = tpu.memref_squeeze %dma_start3A_110 : memref<1x64xi32, #tpu.memory_space<vmem>> -> memref<64xi32, #tpu.memory_space<vmem>>
    %dma_start3A_112 = arith.constant 0 : i32
    %dma_start3A_113 = arith.constant 0 : i32
    %dma_start3A_114 = tpu.memref_slice %arg6[%dma_start3A_112, %dma_start3A_113] : memref<8x128xf32, #tpu.memory_space<vmem_shared>> -> memref<8x128xf32, #tpu.memory_space<vmem_shared>>
    %dma_start3A_115 = tpu.memref_slice %arg8[%dma_start3A_105] : memref<8x!tpu.dma_semaphore, #tpu.memory_space<semaphore_mem>> -> memref<1x!tpu.dma_semaphore, #tpu.memory_space<semaphore_mem>>
    %dma_start3A_116 = tpu.memref_squeeze %dma_start3A_115 : memref<1x!tpu.dma_semaphore, #tpu.memory_space<semaphore_mem>> -> memref<!tpu.dma_semaphore, #tpu.memory_space<semaphore_mem>>
    tpu.enqueue_indirect_dma source(%dma_start3A_114 : memref<8x128xf32, #tpu.memory_space<vmem_shared>>) target(%dma_start3A_108 : memref<64x128xf32, #tpu.memory_space<vmem>>) offsets(%dma_start3A_111 : memref<64xi32, #tpu.memory_space<vmem>>) semaphore(%dma_start3A_116 : memref<!tpu.dma_semaphore, #tpu.memory_space<semaphore_mem>>)
    %dma_wait3A_117 = arith.constant 0 : i32
    %dma_wait3A_118 = arith.constant 0 : i32
    %dma_wait3A_119 = arith.constant 0 : i32
    %dma_wait3A_120 = arith.constant 0 : i32
    %dma_wait3A_121 = tpu.memref_slice %arg7[%dma_wait3A_119, %dma_wait3A_120] : memref<512x128xf32, #tpu.memory_space<vmem>> -> memref<64x128xf32, #tpu.memory_space<vmem>>
    %dma_wait3A_122 = arith.constant 0 : i32
    %dma_wait3A_123 = tpu.memref_slice %arg5[%dma_wait3A_117, %dma_wait3A_122] : memref<4x128xi32, #tpu.memory_space<vmem>> -> memref<1x64xi32, #tpu.memory_space<vmem>>
    %dma_wait3A_124 = tpu.memref_squeeze %dma_wait3A_123 : memref<1x64xi32, #tpu.memory_space<vmem>> -> memref<64xi32, #tpu.memory_space<vmem>>
    %dma_wait3A_125 = arith.constant 0 : i32
    %dma_wait3A_126 = arith.constant 0 : i32
    %dma_wait3A_127 = tpu.memref_slice %arg6[%dma_wait3A_125, %dma_wait3A_126] : memref<8x128xf32, #tpu.memory_space<vmem_shared>> -> memref<8x128xf32, #tpu.memory_space<vmem_shared>>
    %dma_wait3A_128 = tpu.memref_slice %arg8[%dma_wait3A_118] : memref<8x!tpu.dma_semaphore, #tpu.memory_space<semaphore_mem>> -> memref<1x!tpu.dma_semaphore, #tpu.memory_space<semaphore_mem>>
    %dma_wait3A_129 = tpu.memref_squeeze %dma_wait3A_128 : memref<1x!tpu.dma_semaphore, #tpu.memory_space<semaphore_mem>> -> memref<!tpu.dma_semaphore, #tpu.memory_space<semaphore_mem>>
    tpu.wait_indirect_dma semaphore(%dma_wait3A_129 : memref<!tpu.dma_semaphore, #tpu.memory_space<semaphore_mem>>) src(%dma_wait3A_127 : memref<8x128xf32, #tpu.memory_space<vmem_shared>>) dst(%dma_wait3A_121 : memref<64x128xf32, #tpu.memory_space<vmem>>)
    %add3A_130 = arith.constant 0 : i32
    %add3A_131 = arith.addi %mul3A_2, %add3A_130 : i32
    %dma_start3A_132 = arith.constant 0 : i32
    %dma_start3A_133 = arith.constant 0 : i32
    %dma_start3A_134 = tpu.memref_slice %arg7[%dma_start3A_132, %dma_start3A_133] : memref<512x128xf32, #tpu.memory_space<vmem>> -> memref<64x128xf32, #tpu.memory_space<vmem>>
    %dma_start3A_135 = arith.constant 0 : i32
    %dma_start3A_136 = tpu.memref_slice %arg4[%add3A_131, %dma_start3A_135] : memref<16384x128xf32, #tpu.memory_space<hbm>> -> memref<64x128xf32, #tpu.memory_space<hbm>>
    %dma_start3A_137 = arith.constant 0 : i32
    %dma_start3A_138 = tpu.memref_slice %arg4[%add3A_131, %dma_start3A_137] : memref<16384x128xf32, #tpu.memory_space<hbm>> -> memref<64x128xf32, #tpu.memory_space<hbm>>
    %dma_start3A_139 = arith.constant 0 : i32
    %dma_start3A_140 = arith.constant 0 : i32
    %dma_start3A_141 = tpu.memref_slice %arg7[%dma_start3A_139, %dma_start3A_140] : memref<512x128xf32, #tpu.memory_space<vmem>> -> memref<64x128xf32, #tpu.memory_space<vmem>>
    tpu.enqueue_dma source(%dma_start3A_141 : memref<64x128xf32, #tpu.memory_space<vmem>>) target(%dma_start3A_138 : memref<64x128xf32, #tpu.memory_space<hbm>>) target_semaphore(%arg9 : memref<!tpu.dma_semaphore, #tpu.memory_space<semaphore_mem>>)
    %dma_wait3A_142 = arith.constant 0 : i32
    %dma_wait3A_143 = arith.constant 1 : i32
    %dma_wait3A_144 = arith.constant 64 : i32
    %dma_wait3A_145 = arith.constant 0 : i32
    %dma_wait3A_146 = tpu.memref_slice %arg7[%dma_wait3A_144, %dma_wait3A_145] : memref<512x128xf32, #tpu.memory_space<vmem>> -> memref<64x128xf32, #tpu.memory_space<vmem>>
    %dma_wait3A_147 = arith.constant 64 : i32
    %dma_wait3A_148 = tpu.memref_slice %arg5[%dma_wait3A_142, %dma_wait3A_147] : memref<4x128xi32, #tpu.memory_space<vmem>> -> memref<1x64xi32, #tpu.memory_space<vmem>>
    %dma_wait3A_149 = tpu.memref_squeeze %dma_wait3A_148 : memref<1x64xi32, #tpu.memory_space<vmem>> -> memref<64xi32, #tpu.memory_space<vmem>>
    %dma_wait3A_150 = arith.constant 0 : i32
    %dma_wait3A_151 = arith.constant 0 : i32
    %dma_wait3A_152 = tpu.memref_slice %arg6[%dma_wait3A_150, %dma_wait3A_151] : memref<8x128xf32, #tpu.memory_space<vmem_shared>> -> memref<8x128xf32, #tpu.memory_space<vmem_shared>>
    %dma_wait3A_153 = tpu.memref_slice %arg8[%dma_wait3A_143] : memref<8x!tpu.dma_semaphore, #tpu.memory_space<semaphore_mem>> -> memref<1x!tpu.dma_semaphore, #tpu.memory_space<semaphore_mem>>
    %dma_wait3A_154 = tpu.memref_squeeze %dma_wait3A_153 : memref<1x!tpu.dma_semaphore, #tpu.memory_space<semaphore_mem>> -> memref<!tpu.dma_semaphore, #tpu.memory_space<semaphore_mem>>
    tpu.wait_indirect_dma semaphore(%dma_wait3A_154 : memref<!tpu.dma_semaphore, #tpu.memory_space<semaphore_mem>>) src(%dma_wait3A_152 : memref<8x128xf32, #tpu.memory_space<vmem_shared>>) dst(%dma_wait3A_146 : memref<64x128xf32, #tpu.memory_space<vmem>>)
    %add3A_155 = arith.constant 64 : i32
    %add3A_156 = arith.addi %mul3A_2, %add3A_155 : i32
    %dma_start3A_157 = arith.constant 64 : i32
    %dma_start3A_158 = arith.constant 0 : i32
    %dma_start3A_159 = tpu.memref_slice %arg7[%dma_start3A_157, %dma_start3A_158] : memref<512x128xf32, #tpu.memory_space<vmem>> -> memref<64x128xf32, #tpu.memory_space<vmem>>
    %dma_start3A_160 = arith.constant 0 : i32
    %dma_start3A_161 = tpu.memref_slice %arg4[%add3A_156, %dma_start3A_160] : memref<16384x128xf32, #tpu.memory_space<hbm>> -> memref<64x128xf32, #tpu.memory_space<hbm>>
    %dma_start3A_162 = arith.constant 0 : i32
    %dma_start3A_163 = tpu.memref_slice %arg4[%add3A_156, %dma_start3A_162] : memref<16384x128xf32, #tpu.memory_space<hbm>> -> memref<64x128xf32, #tpu.memory_space<hbm>>
    %dma_start3A_164 = arith.constant 64 : i32
    %dma_start3A_165 = arith.constant 0 : i32
    %dma_start3A_166 = tpu.memref_slice %arg7[%dma_start3A_164, %dma_start3A_165] : memref<512x128xf32, #tpu.memory_space<vmem>> -> memref<64x128xf32, #tpu.memory_space<vmem>>
    tpu.enqueue_dma source(%dma_start3A_166 : memref<64x128xf32, #tpu.memory_space<vmem>>) target(%dma_start3A_163 : memref<64x128xf32, #tpu.memory_space<hbm>>) target_semaphore(%arg9 : memref<!tpu.dma_semaphore, #tpu.memory_space<semaphore_mem>>)
    %dma_wait3A_167 = arith.constant 1 : i32
    %dma_wait3A_168 = arith.constant 2 : i32
    %dma_wait3A_169 = arith.constant 128 : i32
    %dma_wait3A_170 = arith.constant 0 : i32
    %dma_wait3A_171 = tpu.memref_slice %arg7[%dma_wait3A_169, %dma_wait3A_170] : memref<512x128xf32, #tpu.memory_space<vmem>> -> memref<64x128xf32, #tpu.memory_space<vmem>>
    %dma_wait3A_172 = arith.constant 0 : i32
    %dma_wait3A_173 = tpu.memref_slice %arg5[%dma_wait3A_167, %dma_wait3A_172] : memref<4x128xi32, #tpu.memory_space<vmem>> -> memref<1x64xi32, #tpu.memory_space<vmem>>
    %dma_wait3A_174 = tpu.memref_squeeze %dma_wait3A_173 : memref<1x64xi32, #tpu.memory_space<vmem>> -> memref<64xi32, #tpu.memory_space<vmem>>
    %dma_wait3A_175 = arith.constant 0 : i32
    %dma_wait3A_176 = arith.constant 0 : i32
    %dma_wait3A_177 = tpu.memref_slice %arg6[%dma_wait3A_175, %dma_wait3A_176] : memref<8x128xf32, #tpu.memory_space<vmem_shared>> -> memref<8x128xf32, #tpu.memory_space<vmem_shared>>
    %dma_wait3A_178 = tpu.memref_slice %arg8[%dma_wait3A_168] : memref<8x!tpu.dma_semaphore, #tpu.memory_space<semaphore_mem>> -> memref<1x!tpu.dma_semaphore, #tpu.memory_space<semaphore_mem>>
    %dma_wait3A_179 = tpu.memref_squeeze %dma_wait3A_178 : memref<1x!tpu.dma_semaphore, #tpu.memory_space<semaphore_mem>> -> memref<!tpu.dma_semaphore, #tpu.memory_space<semaphore_mem>>
    tpu.wait_indirect_dma semaphore(%dma_wait3A_179 : memref<!tpu.dma_semaphore, #tpu.memory_space<semaphore_mem>>) src(%dma_wait3A_177 : memref<8x128xf32, #tpu.memory_space<vmem_shared>>) dst(%dma_wait3A_171 : memref<64x128xf32, #tpu.memory_space<vmem>>)
    %add3A_180 = arith.constant 128 : i32
    %add3A_181 = arith.addi %mul3A_2, %add3A_180 : i32
    %dma_start3A_182 = arith.constant 128 : i32
    %dma_start3A_183 = arith.constant 0 : i32
    %dma_start3A_184 = tpu.memref_slice %arg7[%dma_start3A_182, %dma_start3A_183] : memref<512x128xf32, #tpu.memory_space<vmem>> -> memref<64x128xf32, #tpu.memory_space<vmem>>
    %dma_start3A_185 = arith.constant 0 : i32
    %dma_start3A_186 = tpu.memref_slice %arg4[%add3A_181, %dma_start3A_185] : memref<16384x128xf32, #tpu.memory_space<hbm>> -> memref<64x128xf32, #tpu.memory_space<hbm>>
    %dma_start3A_187 = arith.constant 0 : i32
    %dma_start3A_188 = tpu.memref_slice %arg4[%add3A_181, %dma_start3A_187] : memref<16384x128xf32, #tpu.memory_space<hbm>> -> memref<64x128xf32, #tpu.memory_space<hbm>>
    %dma_start3A_189 = arith.constant 128 : i32
    %dma_start3A_190 = arith.constant 0 : i32
    %dma_start3A_191 = tpu.memref_slice %arg7[%dma_start3A_189, %dma_start3A_190] : memref<512x128xf32, #tpu.memory_space<vmem>> -> memref<64x128xf32, #tpu.memory_space<vmem>>
    tpu.enqueue_dma source(%dma_start3A_191 : memref<64x128xf32, #tpu.memory_space<vmem>>) target(%dma_start3A_188 : memref<64x128xf32, #tpu.memory_space<hbm>>) target_semaphore(%arg9 : memref<!tpu.dma_semaphore, #tpu.memory_space<semaphore_mem>>)
    %dma_wait3A_192 = arith.constant 1 : i32
    %dma_wait3A_193 = arith.constant 3 : i32
    %dma_wait3A_194 = arith.constant 192 : i32
    %dma_wait3A_195 = arith.constant 0 : i32
    %dma_wait3A_196 = tpu.memref_slice %arg7[%dma_wait3A_194, %dma_wait3A_195] : memref<512x128xf32, #tpu.memory_space<vmem>> -> memref<64x128xf32, #tpu.memory_space<vmem>>
    %dma_wait3A_197 = arith.constant 64 : i32
    %dma_wait3A_198 = tpu.memref_slice %arg5[%dma_wait3A_192, %dma_wait3A_197] : memref<4x128xi32, #tpu.memory_space<vmem>> -> memref<1x64xi32, #tpu.memory_space<vmem>>
    %dma_wait3A_199 = tpu.memref_squeeze %dma_wait3A_198 : memref<1x64xi32, #tpu.memory_space<vmem>> -> memref<64xi32, #tpu.memory_space<vmem>>
    %dma_wait3A_200 = arith.constant 0 : i32
    %dma_wait3A_201 = arith.constant 0 : i32
    %dma_wait3A_202 = tpu.memref_slice %arg6[%dma_wait3A_200, %dma_wait3A_201] : memref<8x128xf32, #tpu.memory_space<vmem_shared>> -> memref<8x128xf32, #tpu.memory_space<vmem_shared>>
    %dma_wait3A_203 = tpu.memref_slice %arg8[%dma_wait3A_193] : memref<8x!tpu.dma_semaphore, #tpu.memory_space<semaphore_mem>> -> memref<1x!tpu.dma_semaphore, #tpu.memory_space<semaphore_mem>>
    %dma_wait3A_204 = tpu.memref_squeeze %dma_wait3A_203 : memref<1x!tpu.dma_semaphore, #tpu.memory_space<semaphore_mem>> -> memref<!tpu.dma_semaphore, #tpu.memory_space<semaphore_mem>>
    tpu.wait_indirect_dma semaphore(%dma_wait3A_204 : memref<!tpu.dma_semaphore, #tpu.memory_space<semaphore_mem>>) src(%dma_wait3A_202 : memref<8x128xf32, #tpu.memory_space<vmem_shared>>) dst(%dma_wait3A_196 : memref<64x128xf32, #tpu.memory_space<vmem>>)
    %add3A_205 = arith.constant 192 : i32
    %add3A_206 = arith.addi %mul3A_2, %add3A_205 : i32
    %dma_start3A_207 = arith.constant 192 : i32
    %dma_start3A_208 = arith.constant 0 : i32
    %dma_start3A_209 = tpu.memref_slice %arg7[%dma_start3A_207, %dma_start3A_208] : memref<512x128xf32, #tpu.memory_space<vmem>> -> memref<64x128xf32, #tpu.memory_space<vmem>>
    %dma_start3A_210 = arith.constant 0 : i32
    %dma_start3A_211 = tpu.memref_slice %arg4[%add3A_206, %dma_start3A_210] : memref<16384x128xf32, #tpu.memory_space<hbm>> -> memref<64x128xf32, #tpu.memory_space<hbm>>
    %dma_start3A_212 = arith.constant 0 : i32
    %dma_start3A_213 = tpu.memref_slice %arg4[%add3A_206, %dma_start3A_212] : memref<16384x128xf32, #tpu.memory_space<hbm>> -> memref<64x128xf32, #tpu.memory_space<hbm>>
    %dma_start3A_214 = arith.constant 192 : i32
    %dma_start3A_215 = arith.constant 0 : i32
    %dma_start3A_216 = tpu.memref_slice %arg7[%dma_start3A_214, %dma_start3A_215] : memref<512x128xf32, #tpu.memory_space<vmem>> -> memref<64x128xf32, #tpu.memory_space<vmem>>
    tpu.enqueue_dma source(%dma_start3A_216 : memref<64x128xf32, #tpu.memory_space<vmem>>) target(%dma_start3A_213 : memref<64x128xf32, #tpu.memory_space<hbm>>) target_semaphore(%arg9 : memref<!tpu.dma_semaphore, #tpu.memory_space<semaphore_mem>>)
    %dma_wait3A_217 = arith.constant 2 : i32
    %dma_wait3A_218 = arith.constant 4 : i32
    %dma_wait3A_219 = arith.constant 256 : i32
    %dma_wait3A_220 = arith.constant 0 : i32
    %dma_wait3A_221 = tpu.memref_slice %arg7[%dma_wait3A_219, %dma_wait3A_220] : memref<512x128xf32, #tpu.memory_space<vmem>> -> memref<64x128xf32, #tpu.memory_space<vmem>>
    %dma_wait3A_222 = arith.constant 0 : i32
    %dma_wait3A_223 = tpu.memref_slice %arg5[%dma_wait3A_217, %dma_wait3A_222] : memref<4x128xi32, #tpu.memory_space<vmem>> -> memref<1x64xi32, #tpu.memory_space<vmem>>
    %dma_wait3A_224 = tpu.memref_squeeze %dma_wait3A_223 : memref<1x64xi32, #tpu.memory_space<vmem>> -> memref<64xi32, #tpu.memory_space<vmem>>
    %dma_wait3A_225 = arith.constant 0 : i32
    %dma_wait3A_226 = arith.constant 0 : i32
    %dma_wait3A_227 = tpu.memref_slice %arg6[%dma_wait3A_225, %dma_wait3A_226] : memref<8x128xf32, #tpu.memory_space<vmem_shared>> -> memref<8x128xf32, #tpu.memory_space<vmem_shared>>
    %dma_wait3A_228 = tpu.memref_slice %arg8[%dma_wait3A_218] : memref<8x!tpu.dma_semaphore, #tpu.memory_space<semaphore_mem>> -> memref<1x!tpu.dma_semaphore, #tpu.memory_space<semaphore_mem>>
    %dma_wait3A_229 = tpu.memref_squeeze %dma_wait3A_228 : memref<1x!tpu.dma_semaphore, #tpu.memory_space<semaphore_mem>> -> memref<!tpu.dma_semaphore, #tpu.memory_space<semaphore_mem>>
    tpu.wait_indirect_dma semaphore(%dma_wait3A_229 : memref<!tpu.dma_semaphore, #tpu.memory_space<semaphore_mem>>) src(%dma_wait3A_227 : memref<8x128xf32, #tpu.memory_space<vmem_shared>>) dst(%dma_wait3A_221 : memref<64x128xf32, #tpu.memory_space<vmem>>)
    %add3A_230 = arith.constant 256 : i32
    %add3A_231 = arith.addi %mul3A_2, %add3A_230 : i32
    %dma_start3A_232 = arith.constant 256 : i32
    %dma_start3A_233 = arith.constant 0 : i32
    %dma_start3A_234 = tpu.memref_slice %arg7[%dma_start3A_232, %dma_start3A_233] : memref<512x128xf32, #tpu.memory_space<vmem>> -> memref<64x128xf32, #tpu.memory_space<vmem>>
    %dma_start3A_235 = arith.constant 0 : i32
    %dma_start3A_236 = tpu.memref_slice %arg4[%add3A_231, %dma_start3A_235] : memref<16384x128xf32, #tpu.memory_space<hbm>> -> memref<64x128xf32, #tpu.memory_space<hbm>>
    %dma_start3A_237 = arith.constant 0 : i32
    %dma_start3A_238 = tpu.memref_slice %arg4[%add3A_231, %dma_start3A_237] : memref<16384x128xf32, #tpu.memory_space<hbm>> -> memref<64x128xf32, #tpu.memory_space<hbm>>
    %dma_start3A_239 = arith.constant 256 : i32
    %dma_start3A_240 = arith.constant 0 : i32
    %dma_start3A_241 = tpu.memref_slice %arg7[%dma_start3A_239, %dma_start3A_240] : memref<512x128xf32, #tpu.memory_space<vmem>> -> memref<64x128xf32, #tpu.memory_space<vmem>>
    tpu.enqueue_dma source(%dma_start3A_241 : memref<64x128xf32, #tpu.memory_space<vmem>>) target(%dma_start3A_238 : memref<64x128xf32, #tpu.memory_space<hbm>>) target_semaphore(%arg9 : memref<!tpu.dma_semaphore, #tpu.memory_space<semaphore_mem>>)
    %dma_wait3A_242 = arith.constant 2 : i32
    %dma_wait3A_243 = arith.constant 5 : i32
    %dma_wait3A_244 = arith.constant 320 : i32
    %dma_wait3A_245 = arith.constant 0 : i32
    %dma_wait3A_246 = tpu.memref_slice %arg7[%dma_wait3A_244, %dma_wait3A_245] : memref<512x128xf32, #tpu.memory_space<vmem>> -> memref<64x128xf32, #tpu.memory_space<vmem>>
    %dma_wait3A_247 = arith.constant 64 : i32
    %dma_wait3A_248 = tpu.memref_slice %arg5[%dma_wait3A_242, %dma_wait3A_247] : memref<4x128xi32, #tpu.memory_space<vmem>> -> memref<1x64xi32, #tpu.memory_space<vmem>>
    %dma_wait3A_249 = tpu.memref_squeeze %dma_wait3A_248 : memref<1x64xi32, #tpu.memory_space<vmem>> -> memref<64xi32, #tpu.memory_space<vmem>>
    %dma_wait3A_250 = arith.constant 0 : i32
    %dma_wait3A_251 = arith.constant 0 : i32
    %dma_wait3A_252 = tpu.memref_slice %arg6[%dma_wait3A_250, %dma_wait3A_251] : memref<8x128xf32, #tpu.memory_space<vmem_shared>> -> memref<8x128xf32, #tpu.memory_space<vmem_shared>>
    %dma_wait3A_253 = tpu.memref_slice %arg8[%dma_wait3A_243] : memref<8x!tpu.dma_semaphore, #tpu.memory_space<semaphore_mem>> -> memref<1x!tpu.dma_semaphore, #tpu.memory_space<semaphore_mem>>
    %dma_wait3A_254 = tpu.memref_squeeze %dma_wait3A_253 : memref<1x!tpu.dma_semaphore, #tpu.memory_space<semaphore_mem>> -> memref<!tpu.dma_semaphore, #tpu.memory_space<semaphore_mem>>
    tpu.wait_indirect_dma semaphore(%dma_wait3A_254 : memref<!tpu.dma_semaphore, #tpu.memory_space<semaphore_mem>>) src(%dma_wait3A_252 : memref<8x128xf32, #tpu.memory_space<vmem_shared>>) dst(%dma_wait3A_246 : memref<64x128xf32, #tpu.memory_space<vmem>>)
    %add3A_255 = arith.constant 320 : i32
    %add3A_256 = arith.addi %mul3A_2, %add3A_255 : i32
    %dma_start3A_257 = arith.constant 320 : i32
    %dma_start3A_258 = arith.constant 0 : i32
    %dma_start3A_259 = tpu.memref_slice %arg7[%dma_start3A_257, %dma_start3A_258] : memref<512x128xf32, #tpu.memory_space<vmem>> -> memref<64x128xf32, #tpu.memory_space<vmem>>
    %dma_start3A_260 = arith.constant 0 : i32
    %dma_start3A_261 = tpu.memref_slice %arg4[%add3A_256, %dma_start3A_260] : memref<16384x128xf32, #tpu.memory_space<hbm>> -> memref<64x128xf32, #tpu.memory_space<hbm>>
    %dma_start3A_262 = arith.constant 0 : i32
    %dma_start3A_263 = tpu.memref_slice %arg4[%add3A_256, %dma_start3A_262] : memref<16384x128xf32, #tpu.memory_space<hbm>> -> memref<64x128xf32, #tpu.memory_space<hbm>>
    %dma_start3A_264 = arith.constant 320 : i32
    %dma_start3A_265 = arith.constant 0 : i32
    %dma_start3A_266 = tpu.memref_slice %arg7[%dma_start3A_264, %dma_start3A_265] : memref<512x128xf32, #tpu.memory_space<vmem>> -> memref<64x128xf32, #tpu.memory_space<vmem>>
    tpu.enqueue_dma source(%dma_start3A_266 : memref<64x128xf32, #tpu.memory_space<vmem>>) target(%dma_start3A_263 : memref<64x128xf32, #tpu.memory_space<hbm>>) target_semaphore(%arg9 : memref<!tpu.dma_semaphore, #tpu.memory_space<semaphore_mem>>)
    %dma_wait3A_267 = arith.constant 3 : i32
    %dma_wait3A_268 = arith.constant 6 : i32
    %dma_wait3A_269 = arith.constant 384 : i32
    %dma_wait3A_270 = arith.constant 0 : i32
    %dma_wait3A_271 = tpu.memref_slice %arg7[%dma_wait3A_269, %dma_wait3A_270] : memref<512x128xf32, #tpu.memory_space<vmem>> -> memref<64x128xf32, #tpu.memory_space<vmem>>
    %dma_wait3A_272 = arith.constant 0 : i32
    %dma_wait3A_273 = tpu.memref_slice %arg5[%dma_wait3A_267, %dma_wait3A_272] : memref<4x128xi32, #tpu.memory_space<vmem>> -> memref<1x64xi32, #tpu.memory_space<vmem>>
    %dma_wait3A_274 = tpu.memref_squeeze %dma_wait3A_273 : memref<1x64xi32, #tpu.memory_space<vmem>> -> memref<64xi32, #tpu.memory_space<vmem>>
    %dma_wait3A_275 = arith.constant 0 : i32
    %dma_wait3A_276 = arith.constant 0 : i32
    %dma_wait3A_277 = tpu.memref_slice %arg6[%dma_wait3A_275, %dma_wait3A_276] : memref<8x128xf32, #tpu.memory_space<vmem_shared>> -> memref<8x128xf32, #tpu.memory_space<vmem_shared>>
    %dma_wait3A_278 = tpu.memref_slice %arg8[%dma_wait3A_268] : memref<8x!tpu.dma_semaphore, #tpu.memory_space<semaphore_mem>> -> memref<1x!tpu.dma_semaphore, #tpu.memory_space<semaphore_mem>>
    %dma_wait3A_279 = tpu.memref_squeeze %dma_wait3A_278 : memref<1x!tpu.dma_semaphore, #tpu.memory_space<semaphore_mem>> -> memref<!tpu.dma_semaphore, #tpu.memory_space<semaphore_mem>>
    tpu.wait_indirect_dma semaphore(%dma_wait3A_279 : memref<!tpu.dma_semaphore, #tpu.memory_space<semaphore_mem>>) src(%dma_wait3A_277 : memref<8x128xf32, #tpu.memory_space<vmem_shared>>) dst(%dma_wait3A_271 : memref<64x128xf32, #tpu.memory_space<vmem>>)
    %add3A_280 = arith.constant 384 : i32
    %add3A_281 = arith.addi %mul3A_2, %add3A_280 : i32
    %dma_start3A_282 = arith.constant 384 : i32
    %dma_start3A_283 = arith.constant 0 : i32
    %dma_start3A_284 = tpu.memref_slice %arg7[%dma_start3A_282, %dma_start3A_283] : memref<512x128xf32, #tpu.memory_space<vmem>> -> memref<64x128xf32, #tpu.memory_space<vmem>>
    %dma_start3A_285 = arith.constant 0 : i32
    %dma_start3A_286 = tpu.memref_slice %arg4[%add3A_281, %dma_start3A_285] : memref<16384x128xf32, #tpu.memory_space<hbm>> -> memref<64x128xf32, #tpu.memory_space<hbm>>
    %dma_start3A_287 = arith.constant 0 : i32
    %dma_start3A_288 = tpu.memref_slice %arg4[%add3A_281, %dma_start3A_287] : memref<16384x128xf32, #tpu.memory_space<hbm>> -> memref<64x128xf32, #tpu.memory_space<hbm>>
    %dma_start3A_289 = arith.constant 384 : i32
    %dma_start3A_290 = arith.constant 0 : i32
    %dma_start3A_291 = tpu.memref_slice %arg7[%dma_start3A_289, %dma_start3A_290] : memref<512x128xf32, #tpu.memory_space<vmem>> -> memref<64x128xf32, #tpu.memory_space<vmem>>
    tpu.enqueue_dma source(%dma_start3A_291 : memref<64x128xf32, #tpu.memory_space<vmem>>) target(%dma_start3A_288 : memref<64x128xf32, #tpu.memory_space<hbm>>) target_semaphore(%arg9 : memref<!tpu.dma_semaphore, #tpu.memory_space<semaphore_mem>>)
    %dma_wait3A_292 = arith.constant 3 : i32
    %dma_wait3A_293 = arith.constant 7 : i32
    %dma_wait3A_294 = arith.constant 448 : i32
    %dma_wait3A_295 = arith.constant 0 : i32
    %dma_wait3A_296 = tpu.memref_slice %arg7[%dma_wait3A_294, %dma_wait3A_295] : memref<512x128xf32, #tpu.memory_space<vmem>> -> memref<64x128xf32, #tpu.memory_space<vmem>>
    %dma_wait3A_297 = arith.constant 64 : i32
    %dma_wait3A_298 = tpu.memref_slice %arg5[%dma_wait3A_292, %dma_wait3A_297] : memref<4x128xi32, #tpu.memory_space<vmem>> -> memref<1x64xi32, #tpu.memory_space<vmem>>
    %dma_wait3A_299 = tpu.memref_squeeze %dma_wait3A_298 : memref<1x64xi32, #tpu.memory_space<vmem>> -> memref<64xi32, #tpu.memory_space<vmem>>
    %dma_wait3A_300 = arith.constant 0 : i32
    %dma_wait3A_301 = arith.constant 0 : i32
    %dma_wait3A_302 = tpu.memref_slice %arg6[%dma_wait3A_300, %dma_wait3A_301] : memref<8x128xf32, #tpu.memory_space<vmem_shared>> -> memref<8x128xf32, #tpu.memory_space<vmem_shared>>
    %dma_wait3A_303 = tpu.memref_slice %arg8[%dma_wait3A_293] : memref<8x!tpu.dma_semaphore, #tpu.memory_space<semaphore_mem>> -> memref<1x!tpu.dma_semaphore, #tpu.memory_space<semaphore_mem>>
    %dma_wait3A_304 = tpu.memref_squeeze %dma_wait3A_303 : memref<1x!tpu.dma_semaphore, #tpu.memory_space<semaphore_mem>> -> memref<!tpu.dma_semaphore, #tpu.memory_space<semaphore_mem>>
    tpu.wait_indirect_dma semaphore(%dma_wait3A_304 : memref<!tpu.dma_semaphore, #tpu.memory_space<semaphore_mem>>) src(%dma_wait3A_302 : memref<8x128xf32, #tpu.memory_space<vmem_shared>>) dst(%dma_wait3A_296 : memref<64x128xf32, #tpu.memory_space<vmem>>)
    %add3A_305 = arith.constant 448 : i32
    %add3A_306 = arith.addi %mul3A_2, %add3A_305 : i32
    %dma_start3A_307 = arith.constant 448 : i32
    %dma_start3A_308 = arith.constant 0 : i32
    %dma_start3A_309 = tpu.memref_slice %arg7[%dma_start3A_307, %dma_start3A_308] : memref<512x128xf32, #tpu.memory_space<vmem>> -> memref<64x128xf32, #tpu.memory_space<vmem>>
    %dma_start3A_310 = arith.constant 0 : i32
    %dma_start3A_311 = tpu.memref_slice %arg4[%add3A_306, %dma_start3A_310] : memref<16384x128xf32, #tpu.memory_space<hbm>> -> memref<64x128xf32, #tpu.memory_space<hbm>>
    %dma_start3A_312 = arith.constant 0 : i32
    %dma_start3A_313 = tpu.memref_slice %arg4[%add3A_306, %dma_start3A_312] : memref<16384x128xf32, #tpu.memory_space<hbm>> -> memref<64x128xf32, #tpu.memory_space<hbm>>
    %dma_start3A_314 = arith.constant 448 : i32
    %dma_start3A_315 = arith.constant 0 : i32
    %dma_start3A_316 = tpu.memref_slice %arg7[%dma_start3A_314, %dma_start3A_315] : memref<512x128xf32, #tpu.memory_space<vmem>> -> memref<64x128xf32, #tpu.memory_space<vmem>>
    tpu.enqueue_dma source(%dma_start3A_316 : memref<64x128xf32, #tpu.memory_space<vmem>>) target(%dma_start3A_313 : memref<64x128xf32, #tpu.memory_space<hbm>>) target_semaphore(%arg9 : memref<!tpu.dma_semaphore, #tpu.memory_space<semaphore_mem>>)
    %add3A_317 = arith.constant 0 : i32
    %add3A_318 = arith.addi %mul3A_2, %add3A_317 : i32
    %dma_wait3A_319 = arith.constant 0 : i32
    %dma_wait3A_320 = arith.constant 0 : i32
    %dma_wait3A_321 = tpu.memref_slice %arg7[%dma_wait3A_319, %dma_wait3A_320] : memref<512x128xf32, #tpu.memory_space<vmem>> -> memref<64x128xf32, #tpu.memory_space<vmem>>
    %dma_wait3A_322 = arith.constant 0 : i32
    %dma_wait3A_323 = tpu.memref_slice %arg4[%add3A_318, %dma_wait3A_322] : memref<16384x128xf32, #tpu.memory_space<hbm>> -> memref<64x128xf32, #tpu.memory_space<hbm>>
    %dma_wait3A_324 = arith.constant 0 : i32
    %dma_wait3A_325 = tpu.memref_slice %arg4[%add3A_318, %dma_wait3A_324] : memref<16384x128xf32, #tpu.memory_space<hbm>> -> memref<64x128xf32, #tpu.memory_space<hbm>>
    %dma_wait3A_326 = arith.constant 0 : i32
    %dma_wait3A_327 = arith.constant 0 : i32
    %dma_wait3A_328 = tpu.memref_slice %arg7[%dma_wait3A_326, %dma_wait3A_327] : memref<512x128xf32, #tpu.memory_space<vmem>> -> memref<64x128xf32, #tpu.memory_space<vmem>>
    tpu.wait_dma2 semaphore(%arg9 : memref<!tpu.dma_semaphore, #tpu.memory_space<semaphore_mem>>) src(%dma_wait3A_328 : memref<64x128xf32, #tpu.memory_space<vmem>>) dst(%dma_wait3A_325 : memref<64x128xf32, #tpu.memory_space<hbm>>)
    %add3A_329 = arith.constant 64 : i32
    %add3A_330 = arith.addi %mul3A_2, %add3A_329 : i32
    %dma_wait3A_331 = arith.constant 64 : i32
    %dma_wait3A_332 = arith.constant 0 : i32
    %dma_wait3A_333 = tpu.memref_slice %arg7[%dma_wait3A_331, %dma_wait3A_332] : memref<512x128xf32, #tpu.memory_space<vmem>> -> memref<64x128xf32, #tpu.memory_space<vmem>>
    %dma_wait3A_334 = arith.constant 0 : i32
    %dma_wait3A_335 = tpu.memref_slice %arg4[%add3A_330, %dma_wait3A_334] : memref<16384x128xf32, #tpu.memory_space<hbm>> -> memref<64x128xf32, #tpu.memory_space<hbm>>
    %dma_wait3A_336 = arith.constant 0 : i32
    %dma_wait3A_337 = tpu.memref_slice %arg4[%add3A_330, %dma_wait3A_336] : memref<16384x128xf32, #tpu.memory_space<hbm>> -> memref<64x128xf32, #tpu.memory_space<hbm>>
    %dma_wait3A_338 = arith.constant 64 : i32
    %dma_wait3A_339 = arith.constant 0 : i32
    %dma_wait3A_340 = tpu.memref_slice %arg7[%dma_wait3A_338, %dma_wait3A_339] : memref<512x128xf32, #tpu.memory_space<vmem>> -> memref<64x128xf32, #tpu.memory_space<vmem>>
    tpu.wait_dma2 semaphore(%arg9 : memref<!tpu.dma_semaphore, #tpu.memory_space<semaphore_mem>>) src(%dma_wait3A_340 : memref<64x128xf32, #tpu.memory_space<vmem>>) dst(%dma_wait3A_337 : memref<64x128xf32, #tpu.memory_space<hbm>>)
    %add3A_341 = arith.constant 128 : i32
    %add3A_342 = arith.addi %mul3A_2, %add3A_341 : i32
    %dma_wait3A_343 = arith.constant 128 : i32
    %dma_wait3A_344 = arith.constant 0 : i32
    %dma_wait3A_345 = tpu.memref_slice %arg7[%dma_wait3A_343, %dma_wait3A_344] : memref<512x128xf32, #tpu.memory_space<vmem>> -> memref<64x128xf32, #tpu.memory_space<vmem>>
    %dma_wait3A_346 = arith.constant 0 : i32
    %dma_wait3A_347 = tpu.memref_slice %arg4[%add3A_342, %dma_wait3A_346] : memref<16384x128xf32, #tpu.memory_space<hbm>> -> memref<64x128xf32, #tpu.memory_space<hbm>>
    %dma_wait3A_348 = arith.constant 0 : i32
    %dma_wait3A_349 = tpu.memref_slice %arg4[%add3A_342, %dma_wait3A_348] : memref<16384x128xf32, #tpu.memory_space<hbm>> -> memref<64x128xf32, #tpu.memory_space<hbm>>
    %dma_wait3A_350 = arith.constant 128 : i32
    %dma_wait3A_351 = arith.constant 0 : i32
    %dma_wait3A_352 = tpu.memref_slice %arg7[%dma_wait3A_350, %dma_wait3A_351] : memref<512x128xf32, #tpu.memory_space<vmem>> -> memref<64x128xf32, #tpu.memory_space<vmem>>
    tpu.wait_dma2 semaphore(%arg9 : memref<!tpu.dma_semaphore, #tpu.memory_space<semaphore_mem>>) src(%dma_wait3A_352 : memref<64x128xf32, #tpu.memory_space<vmem>>) dst(%dma_wait3A_349 : memref<64x128xf32, #tpu.memory_space<hbm>>)
    %add3A_353 = arith.constant 192 : i32
    %add3A_354 = arith.addi %mul3A_2, %add3A_353 : i32
    %dma_wait3A_355 = arith.constant 192 : i32
    %dma_wait3A_356 = arith.constant 0 : i32
    %dma_wait3A_357 = tpu.memref_slice %arg7[%dma_wait3A_355, %dma_wait3A_356] : memref<512x128xf32, #tpu.memory_space<vmem>> -> memref<64x128xf32, #tpu.memory_space<vmem>>
    %dma_wait3A_358 = arith.constant 0 : i32
    %dma_wait3A_359 = tpu.memref_slice %arg4[%add3A_354, %dma_wait3A_358] : memref<16384x128xf32, #tpu.memory_space<hbm>> -> memref<64x128xf32, #tpu.memory_space<hbm>>
    %dma_wait3A_360 = arith.constant 0 : i32
    %dma_wait3A_361 = tpu.memref_slice %arg4[%add3A_354, %dma_wait3A_360] : memref<16384x128xf32, #tpu.memory_space<hbm>> -> memref<64x128xf32, #tpu.memory_space<hbm>>
    %dma_wait3A_362 = arith.constant 192 : i32
    %dma_wait3A_363 = arith.constant 0 : i32
    %dma_wait3A_364 = tpu.memref_slice %arg7[%dma_wait3A_362, %dma_wait3A_363] : memref<512x128xf32, #tpu.memory_space<vmem>> -> memref<64x128xf32, #tpu.memory_space<vmem>>
    tpu.wait_dma2 semaphore(%arg9 : memref<!tpu.dma_semaphore, #tpu.memory_space<semaphore_mem>>) src(%dma_wait3A_364 : memref<64x128xf32, #tpu.memory_space<vmem>>) dst(%dma_wait3A_361 : memref<64x128xf32, #tpu.memory_space<hbm>>)
    %add3A_365 = arith.constant 256 : i32
    %add3A_366 = arith.addi %mul3A_2, %add3A_365 : i32
    %dma_wait3A_367 = arith.constant 256 : i32
    %dma_wait3A_368 = arith.constant 0 : i32
    %dma_wait3A_369 = tpu.memref_slice %arg7[%dma_wait3A_367, %dma_wait3A_368] : memref<512x128xf32, #tpu.memory_space<vmem>> -> memref<64x128xf32, #tpu.memory_space<vmem>>
    %dma_wait3A_370 = arith.constant 0 : i32
    %dma_wait3A_371 = tpu.memref_slice %arg4[%add3A_366, %dma_wait3A_370] : memref<16384x128xf32, #tpu.memory_space<hbm>> -> memref<64x128xf32, #tpu.memory_space<hbm>>
    %dma_wait3A_372 = arith.constant 0 : i32
    %dma_wait3A_373 = tpu.memref_slice %arg4[%add3A_366, %dma_wait3A_372] : memref<16384x128xf32, #tpu.memory_space<hbm>> -> memref<64x128xf32, #tpu.memory_space<hbm>>
    %dma_wait3A_374 = arith.constant 256 : i32
    %dma_wait3A_375 = arith.constant 0 : i32
    %dma_wait3A_376 = tpu.memref_slice %arg7[%dma_wait3A_374, %dma_wait3A_375] : memref<512x128xf32, #tpu.memory_space<vmem>> -> memref<64x128xf32, #tpu.memory_space<vmem>>
    tpu.wait_dma2 semaphore(%arg9 : memref<!tpu.dma_semaphore, #tpu.memory_space<semaphore_mem>>) src(%dma_wait3A_376 : memref<64x128xf32, #tpu.memory_space<vmem>>) dst(%dma_wait3A_373 : memref<64x128xf32, #tpu.memory_space<hbm>>)
    %add3A_377 = arith.constant 320 : i32
    %add3A_378 = arith.addi %mul3A_2, %add3A_377 : i32
    %dma_wait3A_379 = arith.constant 320 : i32
    %dma_wait3A_380 = arith.constant 0 : i32
    %dma_wait3A_381 = tpu.memref_slice %arg7[%dma_wait3A_379, %dma_wait3A_380] : memref<512x128xf32, #tpu.memory_space<vmem>> -> memref<64x128xf32, #tpu.memory_space<vmem>>
    %dma_wait3A_382 = arith.constant 0 : i32
    %dma_wait3A_383 = tpu.memref_slice %arg4[%add3A_378, %dma_wait3A_382] : memref<16384x128xf32, #tpu.memory_space<hbm>> -> memref<64x128xf32, #tpu.memory_space<hbm>>
    %dma_wait3A_384 = arith.constant 0 : i32
    %dma_wait3A_385 = tpu.memref_slice %arg4[%add3A_378, %dma_wait3A_384] : memref<16384x128xf32, #tpu.memory_space<hbm>> -> memref<64x128xf32, #tpu.memory_space<hbm>>
    %dma_wait3A_386 = arith.constant 320 : i32
    %dma_wait3A_387 = arith.constant 0 : i32
    %dma_wait3A_388 = tpu.memref_slice %arg7[%dma_wait3A_386, %dma_wait3A_387] : memref<512x128xf32, #tpu.memory_space<vmem>> -> memref<64x128xf32, #tpu.memory_space<vmem>>
    tpu.wait_dma2 semaphore(%arg9 : memref<!tpu.dma_semaphore, #tpu.memory_space<semaphore_mem>>) src(%dma_wait3A_388 : memref<64x128xf32, #tpu.memory_space<vmem>>) dst(%dma_wait3A_385 : memref<64x128xf32, #tpu.memory_space<hbm>>)
    %add3A_389 = arith.constant 384 : i32
    %add3A_390 = arith.addi %mul3A_2, %add3A_389 : i32
    %dma_wait3A_391 = arith.constant 384 : i32
    %dma_wait3A_392 = arith.constant 0 : i32
    %dma_wait3A_393 = tpu.memref_slice %arg7[%dma_wait3A_391, %dma_wait3A_392] : memref<512x128xf32, #tpu.memory_space<vmem>> -> memref<64x128xf32, #tpu.memory_space<vmem>>
    %dma_wait3A_394 = arith.constant 0 : i32
    %dma_wait3A_395 = tpu.memref_slice %arg4[%add3A_390, %dma_wait3A_394] : memref<16384x128xf32, #tpu.memory_space<hbm>> -> memref<64x128xf32, #tpu.memory_space<hbm>>
    %dma_wait3A_396 = arith.constant 0 : i32
    %dma_wait3A_397 = tpu.memref_slice %arg4[%add3A_390, %dma_wait3A_396] : memref<16384x128xf32, #tpu.memory_space<hbm>> -> memref<64x128xf32, #tpu.memory_space<hbm>>
    %dma_wait3A_398 = arith.constant 384 : i32
    %dma_wait3A_399 = arith.constant 0 : i32
    %dma_wait3A_400 = tpu.memref_slice %arg7[%dma_wait3A_398, %dma_wait3A_399] : memref<512x128xf32, #tpu.memory_space<vmem>> -> memref<64x128xf32, #tpu.memory_space<vmem>>
    tpu.wait_dma2 semaphore(%arg9 : memref<!tpu.dma_semaphore, #tpu.memory_space<semaphore_mem>>) src(%dma_wait3A_400 : memref<64x128xf32, #tpu.memory_space<vmem>>) dst(%dma_wait3A_397 : memref<64x128xf32, #tpu.memory_space<hbm>>)
    %add3A_401 = arith.constant 448 : i32
    %add3A_402 = arith.addi %mul3A_2, %add3A_401 : i32
    %dma_wait3A_403 = arith.constant 448 : i32
    %dma_wait3A_404 = arith.constant 0 : i32
    %dma_wait3A_405 = tpu.memref_slice %arg7[%dma_wait3A_403, %dma_wait3A_404] : memref<512x128xf32, #tpu.memory_space<vmem>> -> memref<64x128xf32, #tpu.memory_space<vmem>>
    %dma_wait3A_406 = arith.constant 0 : i32
    %dma_wait3A_407 = tpu.memref_slice %arg4[%add3A_402, %dma_wait3A_406] : memref<16384x128xf32, #tpu.memory_space<hbm>> -> memref<64x128xf32, #tpu.memory_space<hbm>>
    %dma_wait3A_408 = arith.constant 0 : i32
    %dma_wait3A_409 = tpu.memref_slice %arg4[%add3A_402, %dma_wait3A_408] : memref<16384x128xf32, #tpu.memory_space<hbm>> -> memref<64x128xf32, #tpu.memory_space<hbm>>
    %dma_wait3A_410 = arith.constant 448 : i32
    %dma_wait3A_411 = arith.constant 0 : i32
    %dma_wait3A_412 = tpu.memref_slice %arg7[%dma_wait3A_410, %dma_wait3A_411] : memref<512x128xf32, #tpu.memory_space<vmem>> -> memref<64x128xf32, #tpu.memory_space<vmem>>
    tpu.wait_dma2 semaphore(%arg9 : memref<!tpu.dma_semaphore, #tpu.memory_space<semaphore_mem>>) src(%dma_wait3A_412 : memref<64x128xf32, #tpu.memory_space<vmem>>) dst(%dma_wait3A_409 : memref<64x128xf32, #tpu.memory_space<hbm>>)
    return
  }
}

module attributes {stable_mosaic.version = 14 : i64} {
  func.func @_proj_body(%arg0: memref<8x256xf32, #tpu.memory_space<vmem>>, %arg1: memref<256x128xf32, #tpu.memory_space<vmem>>, %arg2: memref<1x128xf32, #tpu.memory_space<vmem>>, %arg3: memref<8x128xf32, #tpu.memory_space<vmem>>) attributes {dimension_semantics = [], scalar_prefetch = 0 : i64, scratch_operands = 0 : i64, tpu.core_type = #tpu.core_type<tc>} {
    %get3A = arith.constant 0 : index
    %get3A_0 = arith.constant 0 : index
    %get3A_1 = vector.load %arg0[%get3A, %get3A_0] : memref<8x256xf32, #tpu.memory_space<vmem>>, vector<8x256xf32>
    %get3A_2 = arith.constant 0 : index
    %get3A_3 = arith.constant 0 : index
    %get3A_4 = vector.load %arg1[%get3A_2, %get3A_3] : memref<256x128xf32, #tpu.memory_space<vmem>>, vector<256x128xf32>
    %dot_general3A = arith.constant dense<0.000000e+00> : vector<8x128xf32>
    %dot_general3A_5 = tpu.matmul %get3A_1, %get3A_4, %dot_general3A {dimension_numbers = #tpu.dot_dimension_numbers<[1], [0], [0], [1], [0, 0, 1, 1], [], []>, transpose_lhs_hint = false} : vector<8x256xf32>, vector<256x128xf32>, vector<8x128xf32> -> vector<8x128xf32>
    %get3A_6 = arith.constant 0 : index
    %get3A_7 = arith.constant 0 : index
    %get3A_8 = vector.load %arg2[%get3A_6, %get3A_7] : memref<1x128xf32, #tpu.memory_space<vmem>>, vector<1x128xf32>
    %add3A = vector.broadcast %get3A_8 : vector<1x128xf32> to vector<8x128xf32>
    %add3A_9 = arith.addf %dot_general3A_5, %add3A : vector<8x128xf32>
    %swap3A = arith.constant 0 : index
    %swap3A_10 = arith.constant 0 : index
    %swap3A_11 = vector.load %arg3[%swap3A, %swap3A_10] : memref<8x128xf32, #tpu.memory_space<vmem>>, vector<8x128xf32>
    tpu.vector_store %arg3[%swap3A, %swap3A_10], %add3A_9 {strides = array<i32>} : memref<8x128xf32, #tpu.memory_space<vmem>>, vector<8x128xf32>,
    return
  }
}

</mosaic_0001>

<sc_bundles>
// kernel: kernel.4.cloned.1.call-start
scs
__scs_entry_jumppad:
0x0: {  	(pc) =	sbr.rel $0x88, $3  }
0x1: {  	(tag) =	ssettag $0x0;
	lr =	simm.s32 $0x1  }
0x2: {  	[smem:$0x3F9D] =	sst lr;
	_ =	strace $0xD0000000  }
0x3: {  	_ = 	snop  }
0x4: {  	_ = 	snop  }
0x5: {  	_ = 	snop  }
0x6: {  	_ = 	snop  }
0x7: {  	_ = 	snop  }
__scs_overlays_trampoline_lowered:
0x8: {  	[smem:$0x3FAC] =	sst s0  }
0x9: {  	[smem:$0x3FAD] =	sst s1  }
0xa: {  	[smem:$0x3FAE] =	sst s2  }
0xb: {  	[smem:$0x3FAF] =	sst s3  }
0xc: {  	[smem:$0x3FB0] =	sst s4  }
0xd: {  	[smem:$0x3FB1] =	sst s5  }
0xe: {  	[smem:$0x3FB2] =	sst s6  }
0xf: {  	[smem:$0x3FB3] =	sst s7  }
0x10: {  	[smem:$0x3FB4] =	sst s8  }
0x11: {  	[smem:$0x3FB5] =	sst s9;
	s0 =	simm.s32 @!p0 $0x0  }
0x12: {  	s1 =	sld [smem:$0x3F9B];
	s0 =	simm.s32 @p0 $0x1  }
0x13: {  	[smem:$0x3FB6] =	sst s0;
	s0 =	simm.s32 @!p1 $0x0  }
0x14: {  	s2 =	sld [smem:$0x3F9A];
	s0 =	simm.s32 @p1 $0x1  }
0x15: {  	[smem:$0x3FB7] =	sst s0;
	s0 =	simm.s32 @!p2 $0x0  }
0x16: {  	s3 =	sld [smem:$0x3FDB];
	s0 =	simm.s32 @p2 $0x1  }
0x17: {  	s4 =	simm.s32 $0x1BF5;
	[smem:$0x3FB9] =	sst s0  }
0x18: {  	s0 =	sld [smem:$0x3F9C];
	_ =	swait.ge [sflag:s4], $0x0  }
0x19: {  	s7 =	sld [smem:$0x3F9D]  }
0x1a: {  	s8 =	sadd.s32 $0xFFFFE003, lr  }
0x1b: {  	s9 =	sadd.s32 $0xFFFFFEF7, lr;
	s5 =	simm.s32 $0xFFFFFFFF;
	p2 =	slt.u32 s8, $0xFFFFF086  }
0x1c: {  	p1 =	slt.u32 s9, $0xF7A;
	s5 =	simm.s32 @!p2 $0x0  }
0x1d: {  	s5 =	simm.s32 @p1 $0x1;
	p0 =	seq.s32 s7, s2  }
0x1e: {  	s7 =	smul.u32 @!p0 $0xF7A, s2;
	p2 =	seq.s32 @!p0 s5, $0x0  }
0x1f: {  	s9 =	smul.u32 $0xF7A, s1;
	s8 =	simm.s32 @!p0 $0x1BF5;
	p2 =	por !p2, p0  }
0x20: {  	[sflag:s8] =	ssyncset.s32 @!p0 $0xFFFFF086;
	s6 =	sadd.s32 @!p0 s3, s7;
	s7 =	simm.s32 @!p0 $0x108  }
0x21: {  	s3 =	sadd.s32 s3, s9;
	s6 =	sadd.s32 @!p0 $0x88, s6;
	s7 =	simm.s32 @p2 $0x1082  }
0x22: {  	[simem:s7], [sflag:s8] =	dma.local @!p0 [hbm:s6], $0xF7A  }
0x23: {  	s9 =	sor.u32 $0xD0000000, s2;
	s6 =	simm.s32 $0x108;
	_ =	swait.ge @!p0 [sflag:s8], $0x0  }
0x24: {  	s3 =	sadd.s32 $0x88, s3;
	s6 =	simm.s32 @!p1 $0x1082;
	[sflag:s4] =	ssyncset.s32 $0xFFFFF086  }
0x25: {  	[simem:s6], [sflag:s4] =	dma.local [hbm:s3], $0xF7A  }
0x26: {  	[smem:$0x3F9D] =	sst s1;
	(tag) =	ssettag s2;
	_ =	strace s9  }
0x27: {  	s1 =	sld [smem:$0x3FAD]  }
0x28: {  	s2 =	sld [smem:$0x3FAE]  }
0x29: {  	s4 =	sld [smem:$0x3FB0]  }
0x2a: {  	p0 =	seq.s32 s5, $0x0;
	s5 =	sld [smem:$0x3FB1]  }
0x2b: {  	s6 =	sld [smem:$0x3FB2]  }
0x2c: {  	s7 =	sld [smem:$0x3FB3]  }
0x2d: {  	s3 =	simm.s32 $0x108;
	s8 =	sld [smem:$0x3FB4]  }
0x2e: {  	s3 =	simm.s32 @!p0 $0x1082;
	s9 =	sld [smem:$0x3FB5]  }
0x2f: {  	lr =	sadd.s32 s0, s3;
	s0 =	sld [smem:$0x3FAC]  }
0x30: {  	s3 =	sld [smem:$0x3FAF]  }
0x31: {  	[smem:$0x3FB8] =	sst s10  }
0x32: {  	s10 =	sld [smem:$0x3FB6];
	_ =	sdelay $0x3  }
0x33: {  	p0 =	seq.s32 s10, $0x1;
	s10 =	sld [smem:$0x3FB8];
	_ =	sdelay $0x3  }
0x34: {  	[smem:$0x3FB8] =	sst s10  }
0x35: {  	s10 =	sld [smem:$0x3FB7];
	_ =	sdelay $0x3  }
0x36: {  	p1 =	seq.s32 s10, $0x1;
	s10 =	sld [smem:$0x3FB8];
	_ =	sdelay $0x3  }
0x37: {  	[smem:$0x3FB8] =	sst s10  }
0x38: {  	s10 =	sld [smem:$0x3FB9]  }
0x39: {  	_ = 	snop;
	(pc) =	sbr.ind lr, $3  }
0x3a: {  	_ = 	snop  }
0x3b: {  	_ = 	snop  }
0x3c: {  	p2 =	seq.s32 s10, $0x1;
	s10 =	sld [smem:$0x3FB8]  }
0x3d: {  	_ =	shalt  }
0x3e: {  	_ =	shalt  }
0x3f: {  	_ =	shalt  }
0x40: {  	_ =	shalt  }
0x41: {  	_ =	shalt  }
0x42: {  	_ =	shalt  }
0x43: {  	_ =	shalt  }
0x44: {  	_ =	shalt  }
0x45: {  	_ =	shalt  }
0x46: {  	_ =	shalt  }
0x47: {  	_ =	shalt  }
0x48: {  	_ =	shalt  }
0x49: {  	_ =	shalt  }
0x4a: {  	_ =	shalt  }
0x4b: {  	_ =	shalt  }
0x4c: {  	_ =	shalt  }
0x4d: {  	_ =	shalt  }
0x4e: {  	_ =	shalt  }
0x4f: {  	_ =	shalt  }
0x50: {  	_ =	shalt  }
0x51: {  	_ =	shalt  }
0x52: {  	_ =	shalt  }
0x53: {  	_ =	shalt  }
0x54: {  	_ =	shalt  }
0x55: {  	_ =	shalt  }
0x56: {  	_ =	shalt  }
0x57: {  	_ =	shalt  }
0x58: {  	_ =	shalt  }
0x59: {  	_ =	shalt  }
0x5a: {  	_ =	shalt  }
0x5b: {  	_ =	shalt  }
0x5c: {  	_ =	shalt  }
0x5d: {  	_ =	shalt  }
0x5e: {  	_ =	shalt  }
0x5f: {  	_ =	shalt  }
0x60: {  	_ =	shalt  }
0x61: {  	_ =	shalt  }
0x62: {  	_ =	shalt  }
0x63: {  	_ =	shalt  }
0x64: {  	_ =	shalt  }
0x65: {  	_ =	shalt  }
0x66: {  	_ =	shalt  }
0x67: {  	_ =	shalt  }
0x68: {  	_ =	shalt  }
0x69: {  	_ =	shalt  }
0x6a: {  	_ =	shalt  }
0x6b: {  	_ =	shalt  }
0x6c: {  	_ =	shalt  }
0x6d: {  	_ =	shalt  }
0x6e: {  	_ =	shalt  }
0x6f: {  	_ =	shalt  }
0x70: {  	_ =	shalt  }
0x71: {  	_ =	shalt  }
0x72: {  	_ =	shalt  }
0x73: {  	_ =	shalt  }
0x74: {  	_ =	shalt  }
0x75: {  	_ =	shalt  }
0x76: {  	_ =	shalt  }
0x77: {  	_ =	shalt  }
0x78: {  	_ =	shalt  }
0x79: {  	_ =	shalt  }
0x7a: {  	_ =	shalt  }
0x7b: {  	_ =	shalt  }
0x7c: {  	_ =	shalt  }
0x7d: {  	_ =	shalt  }
0x7e: {  	_ =	shalt  }
0x7f: {  	_ =	shalt  }
0x80: {  	_ =	shalt  }
0x81: {  	_ =	shalt  }
0x82: {  	_ =	shalt  }
0x83: {  	_ =	shalt  }
0x84: {  	_ =	shalt  }
0x85: {  	_ =	shalt  }
0x86: {  	_ =	shalt  }
0x87: {  	_ =	shalt  }
.Lfunc_end0:
.L_simem_size_0:
called_computation_lowered:
.L_overlay_start_0:
0x88: {  	s2 =	sld [smem:$0x3FD9]  }
0x89: {  	s3 =	sld [smem:$0x3FFE];
	_ =	sdelay $0x1  }
0x8a: {  	s1 =	srdreg.scid  }
0x8b: {  	s0 =	sand.u32 $0x1, s1  }
0x8c: {  	s17 =	sshll.u32 s0, $0xA;
	s2 =	sadd.s32 s3, s2  }
0x8d: {  	s2 =	sadd.s32 s2, s17  }
0x8e: {  	[smem:$0x3FC4] =	sst s2  }
0x8f: {  	_ = 	snop  }
0x90: {  	s2 =	sld [smem:$0x3FC9]  }
0x91: {  	s18 =	sld [smem:$0x3FD0];
	(tm) =	ssettm $0x1  }
0x92: {  	s4 =	sld [smem:$0x3FFB];
	_ =	sdelay $0x3  }
0x93: {  	_ =	strace s4  }
0x94: {  	s4 =	sld [smem:$0x3FFC];
	_ =	sdelay $0x3  }
0x95: {  	_ =	strace s4  }
0x96: {  	s4 =	sld [smem:$0x3FFD];
	_ =	sdelay $0x3  }
0x97: {  	_ =	strace s4  }
0x98: {  	_ =	strace $0x8FFFFFFF  }
0x99: {  	s19 =	sld [smem:$0x3FDB];
	_ =	sdelay $0x1  }
0x9a: {  	s5 =	simm.s32 $_scs_section_size  }
0x9b: {  	s6 =	simm.s32 $_size__tile_overlayer_lowered;
	s7 =	simm.s32 $_tile_overlayer_lowered  }
0x9c: {  	s22 =	simm.s32 $0x1BFF;
	s21 =	sshll.u32 s7, $0x1;
	s4 =	sadd.s32 s5, s19  }
0x9d: {  	s8 =	simm.s32 $0x0;
	s20 =	sshll.u32 s6, $0x1;
	s6 =	sadd.s32 s21, s4  }
0x9e: {  	[timem:s8], [sflag:s22] =	dma.local [hbm:s6], s20  }
0x9f: {  	_ =	swait.ge [sflag:s22], s20  }
0xa0: {  	s5 =	ssub.s32 $0x0, s20;
	[sflag:s22] =	ssyncset.done $0x0  }
0xa1: {  	[sflag:s22] =	ssyncadd.s32 s5;
	_ =	sdelay $0x1  }
0xa2: {  	s23 =	simm.s32 $0x1B8B  }
0xa3: {  	_ =	swait.ge [sflag:s23], $0x1  }
0xa4: {  	[sflag:s23] =	ssyncset.done $0x0  }
0xa5: {  	s25 =	simm.s32 $0x1B8E;
	s24 =	sld [smem:$0x3FFE];
	[sflag:s23] =	ssyncadd.s32 $0xFFFFFFFF  }
0xa6: {  	s26 =	simm.s32 $execute0_lowered;
	[smem:$0x3FD2] =	sst s25  }
0xa7: {  	s6 =	sshll.u32 s26, $0x1;
	_ =	strace $0x80000046;
	[dreg:$0x1] =	wrdreg $0xFFFFFFFF  }
0xa8: {  	s28 =	simm.s32 $_size_execute0_lowered;
	s4 =	sadd.s32 s4, s6;
	[dreg:$0x0] =	wrdreg $0x0  }
0xa9: {  	s6 =	sshll.u32 s28, $0x1;
	[dreg:$0x2] =	wrdreg s4  }
0xaa: {  	[dreg:$0x3] =	wrdreg s6  }
0xab: {  	[dreg:$0x4] =	wrdreg $0xC0  }
0xac: {  	_ =	task [dreg:s8], $0x5FFFF  }
0xad: {  	[dreg:$0x1] =	wrdreg $0xFFFFFFFF  }
0xae: {  	[dreg:$0x0] =	wrdreg $0x60  }
0xaf: {  	[dreg:$0x2] =	wrdreg s24  }
0xb0: {  	[dreg:$0x3] =	wrdreg s2  }
0xb1: {  	[dreg:$0x4] =	wrdreg s18  }
0xb2: {  	[dreg:$0x5] =	wrdreg $0x2000  }
0xb3: {  	[dreg:$0x6] =	wrdreg $0x9  }
0xb4: {  	_ =	task.clear_ibuf [dreg:s8], $0x7FFFF;
	_ =	strace $0x90000046  }
0xb5: {  	s29 =	simm.s32 $0x9;
	_ =	strace $0x80000048  }
0xb6: {  	_ =	swait.ge [sflag:s29], $0x1  }
0xb7: {  	[sflag:s29] =	ssyncadd.s32 $0xFFFFFFFF  }
0xb8: {  	_ =	strace $0x90000048  }
0xb9: {  	_ =	sfence  }
0xba: {  	s30 =	sld [smem:$0x0];
	_ =	sdelay $0x2  }
0xbb: {  	s31 =	sshll.u32 s1, $0xD;
	s1 =	sshrl.u32 s1, $0x2  }
0xbc: {  	s3 =	sand.u32 $0x4000, s31;
	s1 =	sadd.s32 s1, s30  }
0xbd: {  	s0 =	sor.u32 s3, s0;
	s1 =	sshll.u32 s1, $0x11  }
0xbe: {  	s0 =	sor.u32 s1, s0  }
0xbf: {  	s0 =	sadd.s32 $0x8F2B, s0  }
0xc0: {  	[sflag:s0] =	ssyncadd.remote.s32 $0x1  }
0xc1: {  	_ =	sfence.sel $0xFFFF  }
0xc2: {  	[dreg:$0x0] =	wrdreg $0xFFFFFFFF;
	(pc) =	sbr.abs _section_cstart, $3  }
0xc3: {  	[dreg:$0x1] =	wrdreg $0xFFFFFFFF  }
0xc4: {  	_ =	task.clear_ibuf [dreg:s8], $0x2FFFF;
	_ =	strace $0x9FFFFFFF  }
0xc5: {  	(tm) =	ssettm $0x7FFFFFFF  }
tec
execute0_lowered:
.L_overlay_start_1:
0x0: {  	(tag) =	ssettag $0x1  }
0x1: {  	s0 =	rddreg [dreg:$0x0]  }
0x2: {  	s3 =	rddreg [dreg:$0x1]  }
0x3: {  	s4 =	rddreg [dreg:$0x2]  }
0x4: {  	s2 =	rddreg [dreg:$0x3]  }
0x5: {  	s29 =	rddreg [dreg:$0x4]  }
0x6: {  	s1 =	simm.s32 $0x0;
	s5 =	srdreg.scid;
	s6 =	stileid.u32  }
0x7: {  	s30 =	simm.s32 $0x80;
	s16 =	simm.s32 $0x240;
	s14 =	simm.s32 $0x2240  }
0x8: {  	s11 =	simm.s32 $0x4240;
	s28 =	simm.s32 $0x1C0;
	s15 =	simm.s32 $0x5  }
0x9: {  	s13 =	simm.s32 $0x6;
	p1 =	por $0x0, $0x0;
	s12 =	simm.s32 $0x7  }
0xa: {  	[smem:$0x7FF] =	sst s1;
	s0 =	sadd.s32 $0xC00, s0;
	s5 =	sand.u32 $0x1, s5  }
0xb: {  	s8 =	sshll.u32 s6, $0xE;
	s10 =	sshll.u32 s6, $0x7;
	p0 =	sne.s32 s6, $0x0  }
0xc: {  	s6 =	simm.s32 $0xC240;
	_ =	strace $0x80000047;
	s7 =	sshll.u32 s5, $0x6  }
0xd: {  	s9 =	sshll.u32 s5, $0xD;
	[dreg:$0x5] =	wrdreg s0;
	s23 =	ssub.s32 $0x2, s5  }
0xe: {  	s0 =	sshrl.u32 @!p0 s2, $0x3;
	[dreg:$0xf] =	wrdreg s30;
	s3 =	sadd.s32 s3, s7  }
0xf: {  	s17 =	sor.u32 s9, s8;
	s5 =	sshrl.u32 s23, $0x1;
	[dreg:$0xe] =	wrdreg s0  }
0x10: {  	s9 =	simm.s32 $0x6240;
	s8 =	simm.s32 $0x8240;
	s7 =	simm.s32 $0xA240  }
0x11: {  	s18 =	sadd.s32 s10, s3;
	s4 =	sadd.s32 s4, s17;
	s3 =	ssub.s32 s23, s5  }
0x12: {  	s17 =	simm.s32 $0x40;
	s23 =	simm.s32 $0x100;
	s0 =	rddreg [dreg:$0xe]  }
0x13: {  	s5 =	simm.s32 $0xE240;
	[dreg:$0x6] =	wrdreg s18;
	s19 =	sadd.s32 $0x400, s4  }
0x14: {  	s10 =	simm.s32 $0x8;
	s20 =	sadd.s32 $0x800, s4;
	[dreg:$0x7] =	wrdreg s19  }
0x15: {  	s21 =	sadd.s32 $0xC00, s4;
	s3 =	smax.u32 s3, $0x1;
	[dreg:$0x8] =	wrdreg s20  }
0x16: {  	s22 =	sadd.s32 $0x1000, s4;
	[dreg:$0x9] =	wrdreg s21;
	s31 =	sadd.s32 $0xFFFFFFFF, s3  }
0x17: {  	s24 =	sadd.s32 $0x1400, s4;
	[dreg:$0xa] =	wrdreg s22;
	p2 =	sne.s32 s31, $0x0  }
.Ltmp0:
0x18: {  	s25 =	sadd.s32 $0x1800, s4;
	[dreg:$0xb] =	wrdreg s24;
	(pc) =	sbr.rel @!p2 .LBB2_1-.Ltmp0, $4  }
0x19: {  	s26 =	sadd.s32 $0x1C00, s4;
	s18 =	simm.s32 $0x4;
	[dreg:$0xc] =	wrdreg s25  }
0x1a: {  	[dreg:$0xd] =	wrdreg s26;
	s20 =	simm.s32 $0xA;
	s22 =	simm.s32 $0xC0  }
0x1b: {  	s24 =	simm.s32 $0x140;
	s25 =	simm.s32 $0x180;
	s26 =	simm.s32 $0x1  }
0x1c: {  	s21 =	simm.s32 $0x2;
	s19 =	simm.s32 $0x3;
	s3 =	simm.s32 $0x9  }
0x1d: {  	s29 =	rddreg [dreg:$0x6]  }
0x1e: {  	[tilespmem:s1], [sflag:$0xA] =	stream.linear.gather [hbm4b:s29+s1], $0x200, $0x38;
	[tilespmem:$0x10240] =	vst v63  }
0x1f: {  	s30 =	rddreg [dreg:$0x5];
	s29 =	simm.s32 @!p0 $0x1C0B  }
0x20: {  	[spmem:s0], [sflag:s29] =	dma.local @!p0 [hbm:s30], $0x80  }
0x21: {  	s30 =	simm.s32 @!p0 $0xB  }
0x22: {  	_ =	swait.ge @!p0 [sflag:s30], $0x80  }
0x23: {  	[sflag:s30] =	ssyncset.done @!p0 $0x0  }
0x24: {  	[sflag:s30] =	ssyncadd.s32 @!p0 $0xFFFFFF80  }
0x25: {  	[bflag:$0x0] =	sbarrier.arrive $0xFFFF  }
0x26: {  	_ =	swait.ge [sflag:s20], $0x200  }
0x27: {  	[sflag:s20] =	ssyncset.done $0x0  }
0x28: {  	[sflag:s20] =	ssyncadd.s32 $0xFFFFFE00  }
0x29: {  	[tilespmem:s16], [sflag:$0x1] =	stream.indirect.gather [spmem:s2], $0x80, s1, s17, $0xb8;
	[tilespmem:$0x10240] =	vst v63  }
0x2a: {  	_ = 	snop  }
0x2b: {  	[tilespmem:s14], [sflag:$0x2] =	stream.indirect.gather [spmem:s2], $0x80, s17, s17, $0xb8;
	[tilespmem:$0x10240] =	vst v63  }
0x2c: {  	s0 =	rddreg [dreg:$0xf]  }
0x2d: {  	[tilespmem:s11], [sflag:$0x3] =	stream.indirect.gather [spmem:s2], $0x80, s0, s17, $0xb8;
	[tilespmem:$0x10240] =	vst v63  }
0x2e: {  	_ = 	snop  }
0x2f: {  	[tilespmem:s9], [sflag:$0x4] =	stream.indirect.gather [spmem:s2], $0x80, s22, s17, $0xb8;
	[tilespmem:$0x10240] =	vst v63  }
0x30: {  	_ = 	snop  }
0x31: {  	[tilespmem:s8], [sflag:$0x5] =	stream.indirect.gather [spmem:s2], $0x80, s23, s17, $0xb8;
	[tilespmem:$0x10240] =	vst v63  }
0x32: {  	_ = 	snop  }
0x33: {  	[tilespmem:s7], [sflag:$0x6] =	stream.indirect.gather [spmem:s2], $0x80, s24, s17, $0xb8;
	[tilespmem:$0x10240] =	vst v63  }
0x34: {  	_ = 	snop  }
0x35: {  	[tilespmem:s6], [sflag:$0x7] =	stream.indirect.gather [spmem:s2], $0x80, s25, s17, $0xb8;
	[tilespmem:$0x10240] =	vst v63  }
0x36: {  	_ = 	snop  }
0x37: {  	[tilespmem:s5], [sflag:$0x8] =	stream.indirect.gather [spmem:s2], $0x80, s28, s17, $0xb8;
	[tilespmem:$0x10240] =	vst v63  }
0x38: {  	_ =	swait.ge [sflag:s26], $0x2000  }
0x39: {  	[sflag:s26] =	ssyncset.done $0x0  }
0x3a: {  	[sflag:s26] =	ssyncadd.s32 $0xFFFFE000  }
0x3b: {  	[hbm4b:s4+s1] =	stream.linear.scatter [tilespmem:s16], [sflag:$0x9], $0x2000, $0x38;
	[tilespmem:$0x10240] =	vst v63  }
0x3c: {  	_ =	swait.ge [sflag:s21], $0x2000  }
0x3d: {  	[sflag:s21] =	ssyncset.done $0x0  }
0x3e: {  	s23 =	rddreg [dreg:$0x7];
	[sflag:s21] =	ssyncadd.s32 $0xFFFFE000  }
0x3f: {  	[hbm4b:s23+s1] =	stream.linear.scatter [tilespmem:s14], [sflag:$0x9], $0x2000, $0x38;
	[tilespmem:$0x10240] =	vst v63  }
0x40: {  	_ =	swait.ge [sflag:s19], $0x2000  }
0x41: {  	[sflag:s19] =	ssyncset.done $0x0  }
0x42: {  	s22 =	rddreg [dreg:$0x8];
	[sflag:s19] =	ssyncadd.s32 $0xFFFFE000  }
0x43: {  	[hbm4b:s22+s1] =	stream.linear.scatter [tilespmem:s11], [sflag:$0x9], $0x2000, $0x38;
	[tilespmem:$0x10240] =	vst v63  }
0x44: {  	_ =	swait.ge [sflag:s18], $0x2000  }
0x45: {  	[sflag:s18] =	ssyncset.done $0x0  }
0x46: {  	s23 =	rddreg [dreg:$0x9];
	[sflag:s18] =	ssyncadd.s32 $0xFFFFE000  }
0x47: {  	[hbm4b:s23+s1] =	stream.linear.scatter [tilespmem:s9], [sflag:$0x9], $0x2000, $0x38;
	[tilespmem:$0x10240] =	vst v63  }
0x48: {  	_ =	swait.ge [sflag:s15], $0x2000  }
0x49: {  	[sflag:s15] =	ssyncset.done $0x0  }
0x4a: {  	s22 =	rddreg [dreg:$0xa];
	[sflag:s15] =	ssyncadd.s32 $0xFFFFE000  }
0x4b: {  	[hbm4b:s22+s1] =	stream.linear.scatter [tilespmem:s8], [sflag:$0x9], $0x2000, $0x38;
	[tilespmem:$0x10240] =	vst v63  }
0x4c: {  	_ =	swait.ge [sflag:s13], $0x2000  }
0x4d: {  	[sflag:s13] =	ssyncset.done $0x0  }
0x4e: {  	s23 =	rddreg [dreg:$0xb];
	[sflag:s13] =	ssyncadd.s32 $0xFFFFE000  }
0x4f: {  	[hbm4b:s23+s1] =	stream.linear.scatter [tilespmem:s7], [sflag:$0x9], $0x2000, $0x38;
	[tilespmem:$0x10240] =	vst v63  }
0x50: {  	_ =	swait.ge [sflag:s12], $0x2000  }
0x51: {  	[sflag:s12] =	ssyncset.done $0x0  }
0x52: {  	s22 =	rddreg [dreg:$0xc];
	[sflag:s12] =	ssyncadd.s32 $0xFFFFE000  }
0x53: {  	[hbm4b:s22+s1] =	stream.linear.scatter [tilespmem:s6], [sflag:$0x9], $0x2000, $0x38;
	[tilespmem:$0x10240] =	vst v63  }
0x54: {  	_ =	swait.ge [sflag:s10], $0x2000  }
0x55: {  	[sflag:s10] =	ssyncset.done $0x0  }
0x56: {  	s23 =	rddreg [dreg:$0xd];
	[sflag:s10] =	ssyncadd.s32 $0xFFFFE000  }
0x57: {  	[hbm4b:s23+s1] =	stream.linear.scatter [tilespmem:s5], [sflag:$0x9], $0x2000, $0x38;
	[tilespmem:$0x10240] =	vst v63  }
0x58: {  	_ =	swait.ge [sflag:s3], $0x2000  }
0x59: {  	[sflag:s3] =	ssyncset.done $0x0  }
0x5a: {  	[sflag:s3] =	ssyncadd.s32 $0xFFFFE000  }
0x5b: {  	_ =	swait.ge [sflag:s3], $0x2000  }
0x5c: {  	[sflag:s3] =	ssyncset.done $0x0  }
0x5d: {  	[sflag:s3] =	ssyncadd.s32 $0xFFFFE000  }
0x5e: {  	_ =	swait.ge [sflag:s3], $0x2000  }
0x5f: {  	[sflag:s3] =	ssyncset.done $0x0  }
0x60: {  	[sflag:s3] =	ssyncadd.s32 $0xFFFFE000  }
0x61: {  	_ =	swait.ge [sflag:s3], $0x2000  }
0x62: {  	[sflag:s3] =	ssyncset.done $0x0  }
0x63: {  	[sflag:s3] =	ssyncadd.s32 $0xFFFFE000  }
0x64: {  	_ =	swait.ge [sflag:s3], $0x2000  }
0x65: {  	[sflag:s3] =	ssyncset.done $0x0  }
0x66: {  	[sflag:s3] =	ssyncadd.s32 $0xFFFFE000  }
0x67: {  	_ =	swait.ge [sflag:s3], $0x2000  }
0x68: {  	s31 =	sadd.s32 $0xFFFFFFFF, s31;
	[sflag:s3] =	ssyncset.done $0x0  }
0x69: {  	p2 =	sne.s32 s31, $0x0;
	[sflag:s3] =	ssyncadd.s32 $0xFFFFE000  }
.Ltmp1:
0x6a: {  	_ =	swait.ge [sflag:s3], $0x2000;
	(pc) =	sbr.rel @!p2 .LBB2_3-.Ltmp1, $4  }
0x6b: {  	[sflag:s3] =	ssyncset.done $0x0  }
0x6c: {  	[sflag:s3] =	ssyncadd.s32 $0xFFFFE000  }
0x6d: {  	_ =	swait.ge [sflag:s3], $0x2000  }
0x6e: {  	p1 =	por $0x1, $0x1;
	s0 =	rddreg [dreg:$0xe];
	[sflag:s3] =	ssyncset.done $0x0  }
.LBB2_4:
0x6f: {  	s22 =	rddreg [dreg:$0x6]  }
0x70: {  	[sflag:s3] =	ssyncadd.s32 $0xFFFFE000;
	s23 =	rddreg [dreg:$0x5]  }
0x71: {  	[tilespmem:s1], [sflag:$0xA] =	stream.linear.gather [hbm4b:s22+s1], $0x200, $0x38;
	[tilespmem:$0x10240] =	vst v63  }
0x72: {  	[spmem:s0], [sflag:s29] =	dma.local @!p0 [hbm:s23], $0x80  }
0x73: {  	_ =	swait.ge @!p0 [sflag:s30], $0x80  }
0x74: {  	[sflag:s30] =	ssyncset.done @!p0 $0x0  }
0x75: {  	[sflag:s30] =	ssyncadd.s32 @!p0 $0xFFFFFF80  }
0x76: {  	[bflag:$0x0] =	sbarrier.arrive $0xFFFF  }
0x77: {  	_ =	swait.ge [sflag:s20], $0x200  }
0x78: {  	[sflag:s20] =	ssyncset.done $0x0  }
0x79: {  	[sflag:s20] =	ssyncadd.s32 $0xFFFFFE00  }
0x7a: {  	[tilespmem:s16], [sflag:$0x1] =	stream.indirect.gather [spmem:s2], $0x80, s1, s17, $0xb8;
	[tilespmem:$0x10240] =	vst v63  }
0x7b: {  	_ = 	snop  }
0x7c: {  	[tilespmem:s14], [sflag:$0x2] =	stream.indirect.gather [spmem:s2], $0x80, s17, s17, $0xb8;
	[tilespmem:$0x10240] =	vst v63  }
0x7d: {  	s0 =	rddreg [dreg:$0xf]  }
0x7e: {  	[tilespmem:s11], [sflag:$0x3] =	stream.indirect.gather [spmem:s2], $0x80, s0, s17, $0xb8;
	[tilespmem:$0x10240] =	vst v63  }
0x7f: {  	s22 =	simm.s32 $0xC0  }
0x80: {  	[tilespmem:s9], [sflag:$0x4] =	stream.indirect.gather [spmem:s2], $0x80, s22, s17, $0xb8;
	[tilespmem:$0x10240] =	vst v63  }
0x81: {  	s23 =	simm.s32 $0x100  }
0x82: {  	[tilespmem:s8], [sflag:$0x5] =	stream.indirect.gather [spmem:s2], $0x80, s23, s17, $0xb8;
	[tilespmem:$0x10240] =	vst v63  }
0x83: {  	_ = 	snop  }
0x84: {  	[tilespmem:s7], [sflag:$0x6] =	stream.indirect.gather [spmem:s2], $0x80, s24, s17, $0xb8;
	[tilespmem:$0x10240] =	vst v63  }
0x85: {  	_ = 	snop  }
0x86: {  	[tilespmem:s6], [sflag:$0x7] =	stream.indirect.gather [spmem:s2], $0x80, s25, s17, $0xb8;
	[tilespmem:$0x10240] =	vst v63  }
0x87: {  	_ = 	snop  }
0x88: {  	[tilespmem:s5], [sflag:$0x8] =	stream.indirect.gather [spmem:s2], $0x80, s28, s17, $0xb8;
	[tilespmem:$0x10240] =	vst v63  }
0x89: {  	_ =	swait.ge [sflag:s26], $0x2000  }
0x8a: {  	[sflag:s26] =	ssyncset.done $0x0  }
0x8b: {  	[sflag:s26] =	ssyncadd.s32 $0xFFFFE000  }
0x8c: {  	[hbm4b:s4+s1] =	stream.linear.scatter [tilespmem:s16], [sflag:$0x9], $0x2000, $0x38;
	[tilespmem:$0x10240] =	vst v63  }
0x8d: {  	_ =	swait.ge [sflag:s21], $0x2000  }
0x8e: {  	[sflag:s21] =	ssyncset.done $0x0  }
0x8f: {  	s23 =	rddreg [dreg:$0x7];
	[sflag:s21] =	ssyncadd.s32 $0xFFFFE000  }
0x90: {  	[hbm4b:s23+s1] =	stream.linear.scatter [tilespmem:s14], [sflag:$0x9], $0x2000, $0x38;
	[tilespmem:$0x10240] =	vst v63  }
0x91: {  	_ =	swait.ge [sflag:s19], $0x2000  }
0x92: {  	[sflag:s19] =	ssyncset.done $0x0  }
0x93: {  	s22 =	rddreg [dreg:$0x8];
	[sflag:s19] =	ssyncadd.s32 $0xFFFFE000  }
0x94: {  	[hbm4b:s22+s1] =	stream.linear.scatter [tilespmem:s11], [sflag:$0x9], $0x2000, $0x38;
	[tilespmem:$0x10240] =	vst v63  }
0x95: {  	_ =	swait.ge [sflag:s18], $0x2000  }
0x96: {  	[sflag:s18] =	ssyncset.done $0x0  }
0x97: {  	s23 =	rddreg [dreg:$0x9];
	[sflag:s18] =	ssyncadd.s32 $0xFFFFE000  }
0x98: {  	[hbm4b:s23+s1] =	stream.linear.scatter [tilespmem:s9], [sflag:$0x9], $0x2000, $0x38;
	[tilespmem:$0x10240] =	vst v63  }
0x99: {  	_ =	swait.ge [sflag:s15], $0x2000  }
0x9a: {  	[sflag:s15] =	ssyncset.done $0x0  }
0x9b: {  	s22 =	rddreg [dreg:$0xa];
	[sflag:s15] =	ssyncadd.s32 $0xFFFFE000  }
0x9c: {  	[hbm4b:s22+s1] =	stream.linear.scatter [tilespmem:s8], [sflag:$0x9], $0x2000, $0x38;
	[tilespmem:$0x10240] =	vst v63  }
0x9d: {  	_ =	swait.ge [sflag:s13], $0x2000  }
0x9e: {  	[sflag:s13] =	ssyncset.done $0x0  }
0x9f: {  	s23 =	rddreg [dreg:$0xb];
	[sflag:s13] =	ssyncadd.s32 $0xFFFFE000  }
0xa0: {  	[hbm4b:s23+s1] =	stream.linear.scatter [tilespmem:s7], [sflag:$0x9], $0x2000, $0x38;
	[tilespmem:$0x10240] =	vst v63  }
0xa1: {  	_ =	swait.ge [sflag:s12], $0x2000  }
0xa2: {  	[sflag:s12] =	ssyncset.done $0x0  }
0xa3: {  	s22 =	rddreg [dreg:$0xc];
	[sflag:s12] =	ssyncadd.s32 $0xFFFFE000  }
0xa4: {  	[hbm4b:s22+s1] =	stream.linear.scatter [tilespmem:s6], [sflag:$0x9], $0x2000, $0x38;
	[tilespmem:$0x10240] =	vst v63  }
0xa5: {  	_ =	swait.ge [sflag:s10], $0x2000  }
0xa6: {  	[sflag:s10] =	ssyncset.done $0x0  }
0xa7: {  	s23 =	rddreg [dreg:$0xd];
	[sflag:s10] =	ssyncadd.s32 $0xFFFFE000  }
0xa8: {  	[hbm4b:s23+s1] =	stream.linear.scatter [tilespmem:s5], [sflag:$0x9], $0x2000, $0x38;
	[tilespmem:$0x10240] =	vst v63  }
0xa9: {  	_ =	swait.ge [sflag:s3], $0x2000  }
0xaa: {  	[sflag:s3] =	ssyncset.done $0x0  }
0xab: {  	[sflag:s3] =	ssyncadd.s32 $0xFFFFE000  }
0xac: {  	_ =	swait.ge [sflag:s3], $0x2000  }
0xad: {  	[sflag:s3] =	ssyncset.done $0x0  }
0xae: {  	[sflag:s3] =	ssyncadd.s32 $0xFFFFE000  }
0xaf: {  	_ =	swait.ge [sflag:s3], $0x2000  }
0xb0: {  	[sflag:s3] =	ssyncset.done $0x0  }
0xb1: {  	[sflag:s3] =	ssyncadd.s32 $0xFFFFE000  }
0xb2: {  	_ =	swait.ge [sflag:s3], $0x2000  }
0xb3: {  	[sflag:s3] =	ssyncset.done $0x0  }
0xb4: {  	[sflag:s3] =	ssyncadd.s32 $0xFFFFE000  }
0xb5: {  	_ =	swait.ge [sflag:s3], $0x2000  }
0xb6: {  	[sflag:s3] =	ssyncset.done $0x0  }
0xb7: {  	[sflag:s3] =	ssyncadd.s32 $0xFFFFE000  }
0xb8: {  	_ =	swait.ge [sflag:s3], $0x2000  }
0xb9: {  	s31 =	sadd.s32 $0xFFFFFFFF, s31;
	[sflag:s3] =	ssyncset.done $0x0  }
0xba: {  	p2 =	sne.s32 s31, $0x0;
	[sflag:s3] =	ssyncadd.s32 $0xFFFFE000  }
.Ltmp2:
0xbb: {  	_ =	swait.ge [sflag:s3], $0x2000;
	(pc) =	sbr.rel @p2 .LBB2_4-.Ltmp2, $4  }
0xbc: {  	[sflag:s3] =	ssyncset.done $0x0  }
0xbd: {  	[sflag:s3] =	ssyncadd.s32 $0xFFFFE000  }
0xbe: {  	_ =	swait.ge [sflag:s3], $0x2000  }
0xbf: {  	s0 =	rddreg [dreg:$0xe];
	[sflag:s3] =	ssyncset.done $0x0  }
0xc0: {  	s31 =	simm.s32 $0x100;
	s30 =	simm.s32 $0xC0;
	s29 =	rddreg [dreg:$0x4]  }
.LBB2_6:
0xc1: {  	s22 =	rddreg [dreg:$0x6];
	[sflag:s3] =	ssyncadd.s32 @p1 $0xFFFFE000  }
0xc2: {  	[tilespmem:s1], [sflag:$0xA] =	stream.linear.gather [hbm4b:s22+s1], $0x200, $0x38;
	[tilespmem:$0x10240] =	vst v63  }
0xc3: {  	s23 =	rddreg [dreg:$0x5];
	s22 =	simm.s32 @!p0 $0x1C0B  }
0xc4: {  	[spmem:s0], [sflag:s22] =	dma.local @!p0 [hbm:s23], $0x80  }
0xc5: {  	s0 =	simm.s32 @!p0 $0xB  }
0xc6: {  	_ =	swait.ge @!p0 [sflag:s0], $0x80  }
0xc7: {  	[sflag:s0] =	ssyncset.done @!p0 $0x0  }
0xc8: {  	[sflag:s0] =	ssyncadd.s32 @!p0 $0xFFFFFF80  }
0xc9: {  	[bflag:$0x0] =	sbarrier.arrive $0xFFFF  }
0xca: {  	_ =	swait.ge [sflag:s20], $0x200  }
0xcb: {  	[sflag:s20] =	ssyncset.done $0x0  }
0xcc: {  	[sflag:s20] =	ssyncadd.s32 $0xFFFFFE00  }
0xcd: {  	[tilespmem:s16], [sflag:$0x1] =	stream.indirect.gather [spmem:s2], $0x80, s1, s17, $0xb8;
	[tilespmem:$0x10240] =	vst v63  }
0xce: {  	_ = 	snop  }
0xcf: {  	[tilespmem:s14], [sflag:$0x2] =	stream.indirect.gather [spmem:s2], $0x80, s17, s17, $0xb8;
	[tilespmem:$0x10240] =	vst v63  }
0xd0: {  	s22 =	rddreg [dreg:$0xf]  }
0xd1: {  	[tilespmem:s11], [sflag:$0x3] =	stream.indirect.gather [spmem:s2], $0x80, s22, s17, $0xb8;
	[tilespmem:$0x10240] =	vst v63  }
0xd2: {  	_ = 	snop  }
0xd3: {  	[tilespmem:s9], [sflag:$0x4] =	stream.indirect.gather [spmem:s2], $0x80, s30, s17, $0xb8;
	[tilespmem:$0x10240] =	vst v63  }
0xd4: {  	_ = 	snop  }
0xd5: {  	[tilespmem:s8], [sflag:$0x5] =	stream.indirect.gather [spmem:s2], $0x80, s31, s17, $0xb8;
	[tilespmem:$0x10240] =	vst v63  }
0xd6: {  	_ = 	snop  }
0xd7: {  	[tilespmem:s7], [sflag:$0x6] =	stream.indirect.gather [spmem:s2], $0x80, s24, s17, $0xb8;
	[tilespmem:$0x10240] =	vst v63  }
0xd8: {  	_ = 	snop  }
0xd9: {  	[tilespmem:s6], [sflag:$0x7] =	stream.indirect.gather [spmem:s2], $0x80, s25, s17, $0xb8;
	[tilespmem:$0x10240] =	vst v63  }
0xda: {  	_ = 	snop  }
0xdb: {  	[tilespmem:s5], [sflag:$0x8] =	stream.indirect.gather [spmem:s2], $0x80, s28, s17, $0xb8;
	[tilespmem:$0x10240] =	vst v63  }
0xdc: {  	_ =	swait.ge [sflag:s26], $0x2000  }
0xdd: {  	[sflag:s26] =	ssyncset.done $0x0  }
0xde: {  	[sflag:s26] =	ssyncadd.s32 $0xFFFFE000  }
0xdf: {  	[hbm4b:s4+s1] =	stream.linear.scatter [tilespmem:s16], [sflag:$0x9], $0x2000, $0x38;
	[tilespmem:$0x10240] =	vst v63  }
0xe0: {  	_ =	swait.ge [sflag:s21], $0x2000  }
0xe1: {  	[sflag:s21] =	ssyncset.done $0x0  }
0xe2: {  	s23 =	rddreg [dreg:$0x7];
	[sflag:s21] =	ssyncadd.s32 $0xFFFFE000  }
0xe3: {  	[hbm4b:s23+s1] =	stream.linear.scatter [tilespmem:s14], [sflag:$0x9], $0x2000, $0x38;
	[tilespmem:$0x10240] =	vst v63  }
0xe4: {  	_ =	swait.ge [sflag:s19], $0x2000  }
0xe5: {  	[sflag:s19] =	ssyncset.done $0x0  }
0xe6: {  	s24 =	rddreg [dreg:$0x8];
	[sflag:s19] =	ssyncadd.s32 $0xFFFFE000  }
0xe7: {  	[hbm4b:s24+s1] =	stream.linear.scatter [tilespmem:s11], [sflag:$0x9], $0x2000, $0x38;
	[tilespmem:$0x10240] =	vst v63  }
0xe8: {  	_ =	swait.ge [sflag:s18], $0x2000  }
0xe9: {  	[sflag:s18] =	ssyncset.done $0x0  }
0xea: {  	s25 =	rddreg [dreg:$0x9];
	[sflag:s18] =	ssyncadd.s32 $0xFFFFE000  }
0xeb: {  	[hbm4b:s25+s1] =	stream.linear.scatter [tilespmem:s9], [sflag:$0x9], $0x2000, $0x38;
	[tilespmem:$0x10240] =	vst v63  }
0xec: {  	_ =	swait.ge [sflag:s15], $0x2000  }
0xed: {  	[sflag:s15] =	ssyncset.done $0x0  }
0xee: {  	s26 =	rddreg [dreg:$0xa];
	[sflag:s15] =	ssyncadd.s32 $0xFFFFE000  }
0xef: {  	[hbm4b:s26+s1] =	stream.linear.scatter [tilespmem:s8], [sflag:$0x9], $0x2000, $0x38;
	[tilespmem:$0x10240] =	vst v63  }
0xf0: {  	_ =	swait.ge [sflag:s13], $0x2000  }
0xf1: {  	[sflag:s13] =	ssyncset.done $0x0  }
0xf2: {  	s28 =	rddreg [dreg:$0xb];
	[sflag:s13] =	ssyncadd.s32 $0xFFFFE000  }
0xf3: {  	[hbm4b:s28+s1] =	stream.linear.scatter [tilespmem:s7], [sflag:$0x9], $0x2000, $0x38;
	[tilespmem:$0x10240] =	vst v63  }
0xf4: {  	_ =	swait.ge [sflag:s12], $0x2000  }
0xf5: {  	[sflag:s12] =	ssyncset.done $0x0  }
0xf6: {  	s30 =	rddreg [dreg:$0xc];
	[sflag:s12] =	ssyncadd.s32 $0xFFFFE000  }
0xf7: {  	[hbm4b:s30+s1] =	stream.linear.scatter [tilespmem:s6], [sflag:$0x9], $0x2000, $0x38;
	[tilespmem:$0x10240] =	vst v63  }
0xf8: {  	_ =	swait.ge [sflag:s10], $0x2000  }
0xf9: {  	[sflag:s10] =	ssyncset.done $0x0  }
0xfa: {  	s31 =	rddreg [dreg:$0xd];
	[sflag:s10] =	ssyncadd.s32 $0xFFFFE000  }
0xfb: {  	[hbm4b:s31+s1] =	stream.linear.scatter [tilespmem:s5], [sflag:$0x9], $0x2000, $0x38;
	[tilespmem:$0x10240] =	vst v63  }
0xfc: {  	_ =	swait.ge [sflag:s3], $0x2000  }
0xfd: {  	[sflag:s3] =	ssyncset.done $0x0  }
0xfe: {  	[sflag:s3] =	ssyncadd.s32 $0xFFFFE000  }
0xff: {  	_ =	swait.ge [sflag:s3], $0x2000  }
0x100: {  	[sflag:s3] =	ssyncset.done $0x0  }
0x101: {  	[sflag:s3] =	ssyncadd.s32 $0xFFFFE000  }
0x102: {  	_ =	swait.ge [sflag:s3], $0x2000  }
0x103: {  	[sflag:s3] =	ssyncset.done $0x0  }
0x104: {  	[sflag:s3] =	ssyncadd.s32 $0xFFFFE000  }
0x105: {  	_ =	swait.ge [sflag:s3], $0x2000  }
0x106: {  	[sflag:s3] =	ssyncset.done $0x0  }
0x107: {  	[sflag:s3] =	ssyncadd.s32 $0xFFFFE000  }
0x108: {  	_ =	swait.ge [sflag:s3], $0x2000  }
0x109: {  	[sflag:s3] =	ssyncset.done $0x0  }
0x10a: {  	[sflag:s3] =	ssyncadd.s32 $0xFFFFE000  }
0x10b: {  	_ =	swait.ge [sflag:s3], $0x2000  }
0x10c: {  	[sflag:s3] =	ssyncset.done $0x0  }
0x10d: {  	[sflag:s3] =	ssyncadd.s32 $0xFFFFE000  }
0x10e: {  	_ =	swait.ge [sflag:s3], $0x2000  }
0x10f: {  	[sflag:s3] =	ssyncset.done $0x0  }
0x110: {  	[sflag:s3] =	ssyncadd.s32 $0xFFFFE000  }
0x111: {  	_ =	swait.ge [sflag:s3], $0x2000  }
0x112: {  	[sflag:s3] =	ssyncset.done $0x0  }
0x113: {  	[sflag:s3] =	ssyncadd.s32 $0xFFFFE000  }
0x114: {  	_ =	sfence.sel $0x180000  }
0x115: {  	[bflag:$0x0] =	sbarrier.arrive $0xFFFF  }
0x116: {  	_ =	strace $0x90000047  }
0x117: {  	s0 =	sadd.s32 @!p0 $0x100000, s29;
	[bflag:$0x2] =	sbarrier.arrive $0xFFFF  }
0x118: {  	[sflag:s0] =	ssyncadd.tile.s32 @!p0 $0x1;
	_ =	shalt  }
.LBB2_1:
.Ltmp3:
0x119: {  	(pc) =	sbr.rel .LBB2_6-.Ltmp3, $2  }
0x11a: {  	_ =	sdelay $0x2  }
0x11b: {  	s31 =	simm.s32 $0x100;
	s30 =	simm.s32 $0xC0  }
.LBB2_3:
.Ltmp4:
0x11c: {  	(pc) =	sbr.rel .LBB2_6-.Ltmp4, $2  }
0x11d: {  	_ =	sdelay $0x2  }
0x11e: {  	s31 =	simm.s32 $0x100;
	s30 =	simm.s32 $0xC0;
	s29 =	rddreg [dreg:$0x4]  }
.Lfunc_end2:
_tile_overlayer_lowered:
.L_overlay_start_2:
0x11f: {  	(tag) =	ssettag $0x2  }
0x120: {  	s0 =	rddreg [dreg:$0x0];
	s2 =	stileid.u32  }
0x121: {  	s1 =	rddreg [dreg:$0x1];
	p0 =	sne.s32 s2, $0x0  }
0x122: {  	s3 =	rddreg [dreg:$0x2];
	[bflag:$0x3] =	sbarrier.arrive $0xFFFF;
	s2 =	simm.s32 @!p0 $0x1C0B  }
0x123: {  	[timem:s3], [sflag:s2] =	dma.local @!p0 [hbm:s0], s1  }
0x124: {  	s0 =	simm.s32 @!p0 $0xB  }
0x125: {  	_ =	swait.ge @!p0 [sflag:s0], s1  }
0x126: {  	s1 =	ssub.s32 @!p0 $0x0, s1;
	[sflag:s0] =	ssyncset.done @!p0 $0x0  }
0x127: {  	[sflag:s0] =	ssyncadd.s32 @!p0 s1  }
0x128: {  	[bflag:$0x3] =	sbarrier.arrive $0xFFFF  }
0x129: {  	_ =	shalt  }

</sc_bundles>
